<compile_context>
chip_gen: v7x
topology: tpu7x:2x2x1
jax: 0.10.2.dev20260603
libtpu: 0.0.44.dev20260713+nightly
codegen_flags: <defaults>
</compile_context>

<pallas_src>
import jax
import jax.numpy as jnp
from jax import lax
from jax.experimental import pallas as pl
from jax.experimental.pallas import tpu as pltpu
from jax.experimental.pallas import tpu_sc as plsc

NC, NS = 2, 16
NW = NC * NS
CHUNK = 128
EMB = 128


def _make_gather(batch, hist):
    mesh = plsc.VectorSubcoreMesh(core_axis_name="c", subcore_axis_name="s")
    total = batch * hist
    b_per_w = total // NW
    steps = b_per_w // CHUNK

    nbuf = 3
    WCH = 2 * CHUNK

    def body(idx_hbm, table_hbm, out_hbm, idx_v, rows_v, gsem, wsem):
        wid = lax.axis_index("s") * NC + lax.axis_index("c")
        pltpu.sync_copy(idx_hbm.at[wid], idx_v)
        out_flat = out_hbm.reshape(total, EMB)
        base = wid * b_per_w
        jsteps = steps // 2

        def fire_gather(c, slot_j):
            pltpu.async_copy(
                table_hbm.at[idx_v.at[c]],
                rows_v.at[slot_j % nbuf, pl.ds((c % 2) * CHUNK, CHUNK)], gsem)

        def fire_gather2(j):
            fire_gather(2 * j, j)
            fire_gather(2 * j + 1, j)

        def wait_gather2():
            for _ in range(2):
                pltpu.make_async_copy(
                    table_hbm.at[pl.ds(0, CHUNK)],
                    rows_v.at[0, pl.ds(0, CHUNK)], gsem).wait()

        def fire_write(j):
            pltpu.async_copy(
                rows_v.at[j % nbuf],
                out_flat.at[pl.ds(base + j * WCH, WCH)], wsem)

        def wait_write():
            pltpu.make_async_copy(
                rows_v.at[0], out_flat.at[pl.ds(base, WCH)], wsem).wait()

        fire_gather2(0)
        fire_gather2(1)
        wait_gather2()
        fire_write(0)
        fire_gather2(2)

        def step(j, carry):
            wait_gather2()
            fire_write(j)
            wait_write()
            fire_gather2(j + 2)
            return carry

        lax.fori_loop(1, jsteps - 2, step, 0)

        for j in range(jsteps - 2, jsteps):
            wait_gather2()
            fire_write(j)
            wait_write()
        wait_write()

    return pl.kernel(
        body,
        out_type=jax.ShapeDtypeStruct((hist, batch, EMB), jnp.float32),
        mesh=mesh,
        scratch_types=[
            pltpu.VMEM((steps, CHUNK), jnp.int32),
            pltpu.VMEM((nbuf, 2 * CHUNK, EMB), jnp.float32),
            pltpu.SemaphoreType.DMA,
            pltpu.SemaphoreType.DMA,
        ],
    )


def kernel(x, table):
    B, H = x.shape
    idx = x.T.astype(jnp.int32).reshape(NW, (B * H) // (NW * CHUNK), CHUNK)
    out_t = _make_gather(B, H)(idx, table)
    return out_t.transpose(1, 0, 2)

# --- scband reference (transcript-rebuilt; emitter-appended) ---
"""Pipeline reference for scband-embedding-5884105195961 (READ-ONLY COPY).

The authoritative reference and input builder live on the scoring server;
editing this copy changes nothing except your own understanding.
"""

import jax, jax.numpy as jnp
import numpy as np

VOCAB = 100000
EMBED_DIM = 128
BATCH = 16384
HIST = 50

def setup_inputs(seed: int = 0) -> dict:
    key = jax.random.key(seed)
    k_idx, k_tab = jax.random.split(key)
    x = jax.random.randint(k_idx, (BATCH, HIST), 0, VOCAB, dtype=jnp.int64) if jax.config.jax_enable_x64 else jax.random.randint(k_idx, (BATCH, HIST), 0, VOCAB, dtype=jnp.int32)
    table = jax.random.normal(k_tab, (VOCAB, EMBED_DIM), dtype=jnp.float32) * 0.02
    return {"x": x, "table": table}

def reference(x, table):
    # Embedding wrapper: forward(x) -> token_embedding(x)
    return jnp.take(table, x, axis=0)

if __name__ == "__main__":
    import jax
    _d = setup_inputs()
    print(jax.jit(kernel)(*tuple(_d.values())))

</pallas_src>

<mosaic_0001>
#map = affine_map<(d0, d1) -> (0, 0, 0)>
#map1 = affine_map<(d0, d1) -> (0, 0)>
module attributes {stable_mosaic.version = 14 : i64} {
  func.func @body(%arg0: i32, %arg1: i32, %arg2: memref<32x200x128xi32, #tpu.memory_space<hbm>>, %arg3: memref<100000x128xf32, #tpu.memory_space<hbm>>, %arg4: memref<50x16384x128xf32, #tpu.memory_space<hbm>>, %arg5: memref<200x128xi32, #tpu.memory_space<vmem>>, %arg6: memref<3x256x128xf32, #tpu.memory_space<vmem>>, %arg7: memref<!tpu.dma_semaphore, #tpu.memory_space<semaphore_mem>>, %arg8: memref<!tpu.dma_semaphore, #tpu.memory_space<semaphore_mem>>) attributes {dimension_semantics = [#tpu.dimension_semantics<core_parallel>, #tpu.dimension_semantics<subcore_parallel>], iteration_bounds = array<i64: 2, 16>, scalar_prefetch = 0 : i64, scratch_operands = 4 : i64, tpu.core_type = #tpu.core_type<sc_vector_subcore>, window_params = [{transform_indices = #map}, {transform_indices = #map1}, {transform_indices = #map}]} {
    %mul3A = arith.constant 2 : i32
    %mul3A_0 = arith.muli %arg1, %mul3A : i32
    %add3A = arith.addi %mul3A_0, %arg0 : i32
    "tpu.region"() ({
      %run_scoped3A = tpu.sem_alloc : memref<!tpu.dma_semaphore, #tpu.memory_space<semaphore_mem>>
      %dma_start3A_264 = arith.constant 0 : i32
      %dma_start3A_265 = arith.constant 0 : i32
      %dma_start3A_266 = tpu.memref_slice %arg2[%add3A, %dma_start3A_264, %dma_start3A_265] : memref<32x200x128xi32, #tpu.memory_space<hbm>> -> memref<1x200x128xi32, #tpu.memory_space<hbm>>
      %dma_start3A_267 = tpu.memref_squeeze %dma_start3A_266 : memref<1x200x128xi32, #tpu.memory_space<hbm>> -> memref<200x128xi32, #tpu.memory_space<hbm>>
      %dma_start3A_268 = arith.constant 0 : i32
      %dma_start3A_269 = arith.constant 0 : i32
      %dma_start3A_270 = tpu.memref_slice %arg2[%add3A, %dma_start3A_268, %dma_start3A_269] : memref<32x200x128xi32, #tpu.memory_space<hbm>> -> memref<1x200x128xi32, #tpu.memory_space<hbm>>
      %dma_start3A_271 = tpu.memref_squeeze %dma_start3A_270 : memref<1x200x128xi32, #tpu.memory_space<hbm>> -> memref<200x128xi32, #tpu.memory_space<hbm>>
      tpu.enqueue_dma source(%dma_start3A_271 : memref<200x128xi32, #tpu.memory_space<hbm>>) target(%arg5 : memref<200x128xi32, #tpu.memory_space<vmem>>) target_semaphore(%run_scoped3A : memref<!tpu.dma_semaphore, #tpu.memory_space<semaphore_mem>>)
      %dma_wait3A_272 = arith.constant 0 : i32
      %dma_wait3A_273 = arith.constant 0 : i32
      %dma_wait3A_274 = tpu.memref_slice %arg2[%add3A, %dma_wait3A_272, %dma_wait3A_273] : memref<32x200x128xi32, #tpu.memory_space<hbm>> -> memref<1x200x128xi32, #tpu.memory_space<hbm>>
      %dma_wait3A_275 = tpu.memref_squeeze %dma_wait3A_274 : memref<1x200x128xi32, #tpu.memory_space<hbm>> -> memref<200x128xi32, #tpu.memory_space<hbm>>
      %dma_wait3A_276 = arith.constant 0 : i32
      %dma_wait3A_277 = arith.constant 0 : i32
      %dma_wait3A_278 = tpu.memref_slice %arg2[%add3A, %dma_wait3A_276, %dma_wait3A_277] : memref<32x200x128xi32, #tpu.memory_space<hbm>> -> memref<1x200x128xi32, #tpu.memory_space<hbm>>
      %dma_wait3A_279 = tpu.memref_squeeze %dma_wait3A_278 : memref<1x200x128xi32, #tpu.memory_space<hbm>> -> memref<200x128xi32, #tpu.memory_space<hbm>>
      tpu.wait_dma2 semaphore(%run_scoped3A : memref<!tpu.dma_semaphore, #tpu.memory_space<semaphore_mem>>) src(%dma_wait3A_279 : memref<200x128xi32, #tpu.memory_space<hbm>>) dst(%arg5 : memref<200x128xi32, #tpu.memory_space<vmem>>)
      tpu.yield
    }) : () -> ()
    %mul3A_1 = arith.constant 25600 : i32
    %mul3A_2 = arith.muli %add3A, %mul3A_1 : i32
    %dma_start3A = arith.constant 0 : i32
    %dma_start3A_3 = arith.constant 0 : i32
    %dma_start3A_4 = arith.constant 0 : i32
    %dma_start3A_5 = arith.constant 0 : i32
    %dma_start3A_6 = tpu.memref_slice %arg6[%dma_start3A_3, %dma_start3A_4, %dma_start3A_5] : memref<3x256x128xf32, #tpu.memory_space<vmem>> -> memref<1x128x128xf32, #tpu.memory_space<vmem>>
    %dma_start3A_7 = tpu.memref_squeeze %dma_start3A_6 : memref<1x128x128xf32, #tpu.memory_space<vmem>> -> memref<128x128xf32, #tpu.memory_space<vmem>>
    %dma_start3A_8 = arith.constant 0 : i32
    %dma_start3A_9 = tpu.memref_slice %arg5[%dma_start3A, %dma_start3A_8] : memref<200x128xi32, #tpu.memory_space<vmem>> -> memref<1x128xi32, #tpu.memory_space<vmem>>
    %dma_start3A_10 = tpu.memref_squeeze %dma_start3A_9 : memref<1x128xi32, #tpu.memory_space<vmem>> -> memref<128xi32, #tpu.memory_space<vmem>>
    %dma_start3A_11 = arith.constant 0 : i32
    %dma_start3A_12 = arith.constant 0 : i32
    %dma_start3A_13 = tpu.memref_slice %arg3[%dma_start3A_11, %dma_start3A_12] : memref<100000x128xf32, #tpu.memory_space<hbm>> -> memref<100000x128xf32, #tpu.memory_space<hbm>>
    tpu.enqueue_indirect_dma source(%dma_start3A_13 : memref<100000x128xf32, #tpu.memory_space<hbm>>) target(%dma_start3A_7 : memref<128x128xf32, #tpu.memory_space<vmem>>) offsets(%dma_start3A_10 : memref<128xi32, #tpu.memory_space<vmem>>) semaphore(%arg7 : memref<!tpu.dma_semaphore, #tpu.memory_space<semaphore_mem>>)
    %dma_start3A_14 = arith.constant 1 : i32
    %dma_start3A_15 = arith.constant 0 : i32
    %dma_start3A_16 = arith.constant 128 : i32
    %dma_start3A_17 = arith.constant 0 : i32
    %dma_start3A_18 = tpu.memref_slice %arg6[%dma_start3A_15, %dma_start3A_16, %dma_start3A_17] : memref<3x256x128xf32, #tpu.memory_space<vmem>> -> memref<1x128x128xf32, #tpu.memory_space<vmem>>
    %dma_start3A_19 = tpu.memref_squeeze %dma_start3A_18 : memref<1x128x128xf32, #tpu.memory_space<vmem>> -> memref<128x128xf32, #tpu.memory_space<vmem>>
    %dma_start3A_20 = arith.constant 0 : i32
    %dma_start3A_21 = tpu.memref_slice %arg5[%dma_start3A_14, %dma_start3A_20] : memref<200x128xi32, #tpu.memory_space<vmem>> -> memref<1x128xi32, #tpu.memory_space<vmem>>
    %dma_start3A_22 = tpu.memref_squeeze %dma_start3A_21 : memref<1x128xi32, #tpu.memory_space<vmem>> -> memref<128xi32, #tpu.memory_space<vmem>>
    %dma_start3A_23 = arith.constant 0 : i32
    %dma_start3A_24 = arith.constant 0 : i32
    %dma_start3A_25 = tpu.memref_slice %arg3[%dma_start3A_23, %dma_start3A_24] : memref<100000x128xf32, #tpu.memory_space<hbm>> -> memref<100000x128xf32, #tpu.memory_space<hbm>>
    tpu.enqueue_indirect_dma source(%dma_start3A_25 : memref<100000x128xf32, #tpu.memory_space<hbm>>) target(%dma_start3A_19 : memref<128x128xf32, #tpu.memory_space<vmem>>) offsets(%dma_start3A_22 : memref<128xi32, #tpu.memory_space<vmem>>) semaphore(%arg7 : memref<!tpu.dma_semaphore, #tpu.memory_space<semaphore_mem>>)
    %dma_start3A_26 = arith.constant 2 : i32
    %dma_start3A_27 = arith.constant 1 : i32
    %dma_start3A_28 = arith.constant 0 : i32
    %dma_start3A_29 = arith.constant 0 : i32
    %dma_start3A_30 = tpu.memref_slice %arg6[%dma_start3A_27, %dma_start3A_28, %dma_start3A_29] : memref<3x256x128xf32, #tpu.memory_space<vmem>> -> memref<1x128x128xf32, #tpu.memory_space<vmem>>
    %dma_start3A_31 = tpu.memref_squeeze %dma_start3A_30 : memref<1x128x128xf32, #tpu.memory_space<vmem>> -> memref<128x128xf32, #tpu.memory_space<vmem>>
    %dma_start3A_32 = arith.constant 0 : i32
    %dma_start3A_33 = tpu.memref_slice %arg5[%dma_start3A_26, %dma_start3A_32] : memref<200x128xi32, #tpu.memory_space<vmem>> -> memref<1x128xi32, #tpu.memory_space<vmem>>
    %dma_start3A_34 = tpu.memref_squeeze %dma_start3A_33 : memref<1x128xi32, #tpu.memory_space<vmem>> -> memref<128xi32, #tpu.memory_space<vmem>>
    %dma_start3A_35 = arith.constant 0 : i32
    %dma_start3A_36 = arith.constant 0 : i32
    %dma_start3A_37 = tpu.memref_slice %arg3[%dma_start3A_35, %dma_start3A_36] : memref<100000x128xf32, #tpu.memory_space<hbm>> -> memref<100000x128xf32, #tpu.memory_space<hbm>>
    tpu.enqueue_indirect_dma source(%dma_start3A_37 : memref<100000x128xf32, #tpu.memory_space<hbm>>) target(%dma_start3A_31 : memref<128x128xf32, #tpu.memory_space<vmem>>) offsets(%dma_start3A_34 : memref<128xi32, #tpu.memory_space<vmem>>) semaphore(%arg7 : memref<!tpu.dma_semaphore, #tpu.memory_space<semaphore_mem>>)
    %dma_start3A_38 = arith.constant 3 : i32
    %dma_start3A_39 = arith.constant 1 : i32
    %dma_start3A_40 = arith.constant 128 : i32
    %dma_start3A_41 = arith.constant 0 : i32
    %dma_start3A_42 = tpu.memref_slice %arg6[%dma_start3A_39, %dma_start3A_40, %dma_start3A_41] : memref<3x256x128xf32, #tpu.memory_space<vmem>> -> memref<1x128x128xf32, #tpu.memory_space<vmem>>
    %dma_start3A_43 = tpu.memref_squeeze %dma_start3A_42 : memref<1x128x128xf32, #tpu.memory_space<vmem>> -> memref<128x128xf32, #tpu.memory_space<vmem>>
    %dma_start3A_44 = arith.constant 0 : i32
    %dma_start3A_45 = tpu.memref_slice %arg5[%dma_start3A_38, %dma_start3A_44] : memref<200x128xi32, #tpu.memory_space<vmem>> -> memref<1x128xi32, #tpu.memory_space<vmem>>
    %dma_start3A_46 = tpu.memref_squeeze %dma_start3A_45 : memref<1x128xi32, #tpu.memory_space<vmem>> -> memref<128xi32, #tpu.memory_space<vmem>>
    %dma_start3A_47 = arith.constant 0 : i32
    %dma_start3A_48 = arith.constant 0 : i32
    %dma_start3A_49 = tpu.memref_slice %arg3[%dma_start3A_47, %dma_start3A_48] : memref<100000x128xf32, #tpu.memory_space<hbm>> -> memref<100000x128xf32, #tpu.memory_space<hbm>>
    tpu.enqueue_indirect_dma source(%dma_start3A_49 : memref<100000x128xf32, #tpu.memory_space<hbm>>) target(%dma_start3A_43 : memref<128x128xf32, #tpu.memory_space<vmem>>) offsets(%dma_start3A_46 : memref<128xi32, #tpu.memory_space<vmem>>) semaphore(%arg7 : memref<!tpu.dma_semaphore, #tpu.memory_space<semaphore_mem>>)
    %dma_wait3A = arith.constant 0 : i32
    %dma_wait3A_50 = arith.constant 0 : i32
    %dma_wait3A_51 = arith.constant 0 : i32
    %dma_wait3A_52 = tpu.memref_slice %arg6[%dma_wait3A, %dma_wait3A_50, %dma_wait3A_51] : memref<3x256x128xf32, #tpu.memory_space<vmem>> -> memref<1x128x128xf32, #tpu.memory_space<vmem>>
    %dma_wait3A_53 = tpu.memref_squeeze %dma_wait3A_52 : memref<1x128x128xf32, #tpu.memory_space<vmem>> -> memref<128x128xf32, #tpu.memory_space<vmem>>
    %dma_wait3A_54 = arith.constant 0 : i32
    %dma_wait3A_55 = arith.constant 0 : i32
    %dma_wait3A_56 = tpu.memref_slice %arg3[%dma_wait3A_54, %dma_wait3A_55] : memref<100000x128xf32, #tpu.memory_space<hbm>> -> memref<128x128xf32, #tpu.memory_space<hbm>>
    %dma_wait3A_57 = arith.constant 0 : i32
    %dma_wait3A_58 = arith.constant 0 : i32
    %dma_wait3A_59 = tpu.memref_slice %arg6[%dma_wait3A, %dma_wait3A_57, %dma_wait3A_58] : memref<3x256x128xf32, #tpu.memory_space<vmem>> -> memref<1x128x128xf32, #tpu.memory_space<vmem>>
    %dma_wait3A_60 = tpu.memref_squeeze %dma_wait3A_59 : memref<1x128x128xf32, #tpu.memory_space<vmem>> -> memref<128x128xf32, #tpu.memory_space<vmem>>
    %dma_wait3A_61 = arith.constant 0 : i32
    %dma_wait3A_62 = arith.constant 0 : i32
    %dma_wait3A_63 = tpu.memref_slice %arg3[%dma_wait3A_61, %dma_wait3A_62] : memref<100000x128xf32, #tpu.memory_space<hbm>> -> memref<128x128xf32, #tpu.memory_space<hbm>>
    tpu.wait_dma2 semaphore(%arg7 : memref<!tpu.dma_semaphore, #tpu.memory_space<semaphore_mem>>) src(%dma_wait3A_63 : memref<128x128xf32, #tpu.memory_space<hbm>>) dst(%dma_wait3A_60 : memref<128x128xf32, #tpu.memory_space<vmem>>)
    %dma_wait3A_64 = arith.constant 0 : i32
    %dma_wait3A_65 = arith.constant 0 : i32
    %dma_wait3A_66 = arith.constant 0 : i32
    %dma_wait3A_67 = tpu.memref_slice %arg6[%dma_wait3A_64, %dma_wait3A_65, %dma_wait3A_66] : memref<3x256x128xf32, #tpu.memory_space<vmem>> -> memref<1x128x128xf32, #tpu.memory_space<vmem>>
    %dma_wait3A_68 = tpu.memref_squeeze %dma_wait3A_67 : memref<1x128x128xf32, #tpu.memory_space<vmem>> -> memref<128x128xf32, #tpu.memory_space<vmem>>
    %dma_wait3A_69 = arith.constant 0 : i32
    %dma_wait3A_70 = arith.constant 0 : i32
    %dma_wait3A_71 = tpu.memref_slice %arg3[%dma_wait3A_69, %dma_wait3A_70] : memref<100000x128xf32, #tpu.memory_space<hbm>> -> memref<128x128xf32, #tpu.memory_space<hbm>>
    %dma_wait3A_72 = arith.constant 0 : i32
    %dma_wait3A_73 = arith.constant 0 : i32
    %dma_wait3A_74 = tpu.memref_slice %arg6[%dma_wait3A_64, %dma_wait3A_72, %dma_wait3A_73] : memref<3x256x128xf32, #tpu.memory_space<vmem>> -> memref<1x128x128xf32, #tpu.memory_space<vmem>>
    %dma_wait3A_75 = tpu.memref_squeeze %dma_wait3A_74 : memref<1x128x128xf32, #tpu.memory_space<vmem>> -> memref<128x128xf32, #tpu.memory_space<vmem>>
    %dma_wait3A_76 = arith.constant 0 : i32
    %dma_wait3A_77 = arith.constant 0 : i32
    %dma_wait3A_78 = tpu.memref_slice %arg3[%dma_wait3A_76, %dma_wait3A_77] : memref<100000x128xf32, #tpu.memory_space<hbm>> -> memref<128x128xf32, #tpu.memory_space<hbm>>
    tpu.wait_dma2 semaphore(%arg7 : memref<!tpu.dma_semaphore, #tpu.memory_space<semaphore_mem>>) src(%dma_wait3A_78 : memref<128x128xf32, #tpu.memory_space<hbm>>) dst(%dma_wait3A_75 : memref<128x128xf32, #tpu.memory_space<vmem>>)
    %add3A_79 = arith.constant 0 : i32
    %add3A_80 = arith.addi %mul3A_2, %add3A_79 : i32
    %dma_start3A_81 = arith.constant 0 : i32
    %dma_start3A_82 = arith.constant 0 : i32
    %dma_start3A_83 = arith.constant 0 : i32
    %dma_start3A_84 = tpu.memref_slice %arg6[%dma_start3A_81, %dma_start3A_82, %dma_start3A_83] : memref<3x256x128xf32, #tpu.memory_space<vmem>> -> memref<1x256x128xf32, #tpu.memory_space<vmem>>
    %dma_start3A_85 = tpu.memref_squeeze %dma_start3A_84 : memref<1x256x128xf32, #tpu.memory_space<vmem>> -> memref<256x128xf32, #tpu.memory_space<vmem>>
    %dma_start3A_86 = tpu.memref_reshape %arg4 : memref<50x16384x128xf32, #tpu.memory_space<hbm>> -> memref<819200x128xf32, #tpu.memory_space<hbm>>
    %dma_start3A_87 = arith.constant 0 : i32
    %dma_start3A_88 = tpu.memref_slice %dma_start3A_86[%add3A_80, %dma_start3A_87] : memref<819200x128xf32, #tpu.memory_space<hbm>> -> memref<256x128xf32, #tpu.memory_space<hbm>>
    %dma_start3A_89 = tpu.memref_reshape %arg4 : memref<50x16384x128xf32, #tpu.memory_space<hbm>> -> memref<819200x128xf32, #tpu.memory_space<hbm>>
    %dma_start3A_90 = arith.constant 0 : i32
    %dma_start3A_91 = tpu.memref_slice %dma_start3A_89[%add3A_80, %dma_start3A_90] : memref<819200x128xf32, #tpu.memory_space<hbm>> -> memref<256x128xf32, #tpu.memory_space<hbm>>
    %dma_start3A_92 = arith.constant 0 : i32
    %dma_start3A_93 = arith.constant 0 : i32
    %dma_start3A_94 = tpu.memref_slice %arg6[%dma_start3A_81, %dma_start3A_92, %dma_start3A_93] : memref<3x256x128xf32, #tpu.memory_space<vmem>> -> memref<1x256x128xf32, #tpu.memory_space<vmem>>
    %dma_start3A_95 = tpu.memref_squeeze %dma_start3A_94 : memref<1x256x128xf32, #tpu.memory_space<vmem>> -> memref<256x128xf32, #tpu.memory_space<vmem>>
    tpu.enqueue_dma source(%dma_start3A_95 : memref<256x128xf32, #tpu.memory_space<vmem>>) target(%dma_start3A_91 : memref<256x128xf32, #tpu.memory_space<hbm>>) target_semaphore(%arg8 : memref<!tpu.dma_semaphore, #tpu.memory_space<semaphore_mem>>)
    %dma_start3A_96 = arith.constant 4 : i32
    %dma_start3A_97 = arith.constant 2 : i32
    %dma_start3A_98 = arith.constant 0 : i32
    %dma_start3A_99 = arith.constant 0 : i32
    %dma_start3A_100 = tpu.memref_slice %arg6[%dma_start3A_97, %dma_start3A_98, %dma_start3A_99] : memref<3x256x128xf32, #tpu.memory_space<vmem>> -> memref<1x128x128xf32, #tpu.memory_space<vmem>>
    %dma_start3A_101 = tpu.memref_squeeze %dma_start3A_100 : memref<1x128x128xf32, #tpu.memory_space<vmem>> -> memref<128x128xf32, #tpu.memory_space<vmem>>
    %dma_start3A_102 = arith.constant 0 : i32
    %dma_start3A_103 = tpu.memref_slice %arg5[%dma_start3A_96, %dma_start3A_102] : memref<200x128xi32, #tpu.memory_space<vmem>> -> memref<1x128xi32, #tpu.memory_space<vmem>>
    %dma_start3A_104 = tpu.memref_squeeze %dma_start3A_103 : memref<1x128xi32, #tpu.memory_space<vmem>> -> memref<128xi32, #tpu.memory_space<vmem>>
    %dma_start3A_105 = arith.constant 0 : i32
    %dma_start3A_106 = arith.constant 0 : i32
    %dma_start3A_107 = tpu.memref_slice %arg3[%dma_start3A_105, %dma_start3A_106] : memref<100000x128xf32, #tpu.memory_space<hbm>> -> memref<100000x128xf32, #tpu.memory_space<hbm>>
    tpu.enqueue_indirect_dma source(%dma_start3A_107 : memref<100000x128xf32, #tpu.memory_space<hbm>>) target(%dma_start3A_101 : memref<128x128xf32, #tpu.memory_space<vmem>>) offsets(%dma_start3A_104 : memref<128xi32, #tpu.memory_space<vmem>>) semaphore(%arg7 : memref<!tpu.dma_semaphore, #tpu.memory_space<semaphore_mem>>)
    %dma_start3A_108 = arith.constant 5 : i32
    %dma_start3A_109 = arith.constant 2 : i32
    %dma_start3A_110 = arith.constant 128 : i32
    %dma_start3A_111 = arith.constant 0 : i32
    %dma_start3A_112 = tpu.memref_slice %arg6[%dma_start3A_109, %dma_start3A_110, %dma_start3A_111] : memref<3x256x128xf32, #tpu.memory_space<vmem>> -> memref<1x128x128xf32, #tpu.memory_space<vmem>>
    %dma_start3A_113 = tpu.memref_squeeze %dma_start3A_112 : memref<1x128x128xf32, #tpu.memory_space<vmem>> -> memref<128x128xf32, #tpu.memory_space<vmem>>
    %dma_start3A_114 = arith.constant 0 : i32
    %dma_start3A_115 = tpu.memref_slice %arg5[%dma_start3A_108, %dma_start3A_114] : memref<200x128xi32, #tpu.memory_space<vmem>> -> memref<1x128xi32, #tpu.memory_space<vmem>>
    %dma_start3A_116 = tpu.memref_squeeze %dma_start3A_115 : memref<1x128xi32, #tpu.memory_space<vmem>> -> memref<128xi32, #tpu.memory_space<vmem>>
    %dma_start3A_117 = arith.constant 0 : i32
    %dma_start3A_118 = arith.constant 0 : i32
    %dma_start3A_119 = tpu.memref_slice %arg3[%dma_start3A_117, %dma_start3A_118] : memref<100000x128xf32, #tpu.memory_space<hbm>> -> memref<100000x128xf32, #tpu.memory_space<hbm>>
    tpu.enqueue_indirect_dma source(%dma_start3A_119 : memref<100000x128xf32, #tpu.memory_space<hbm>>) target(%dma_start3A_113 : memref<128x128xf32, #tpu.memory_space<vmem>>) offsets(%dma_start3A_116 : memref<128xi32, #tpu.memory_space<vmem>>) semaphore(%arg7 : memref<!tpu.dma_semaphore, #tpu.memory_space<semaphore_mem>>)
    %scan3A = arith.constant 0 : i32
    %scan3A_120 = arith.constant 1 : i32
    %scan3A_121 = arith.constant 97 : i32
    %scan3A_122 = arith.addi %scan3A_120, %scan3A_121 : i32
    %scan3A_123 = arith.constant 1 : i32
    scf.for %scan3A_264 = %scan3A_120 to %scan3A_122 step %scan3A_123  : i32 {
      %dma_wait3A_265 = arith.constant 0 : i32
      %dma_wait3A_266 = arith.constant 0 : i32
      %dma_wait3A_267 = arith.constant 0 : i32
      %dma_wait3A_268 = tpu.memref_slice %arg6[%dma_wait3A_265, %dma_wait3A_266, %dma_wait3A_267] : memref<3x256x128xf32, #tpu.memory_space<vmem>> -> memref<1x128x128xf32, #tpu.memory_space<vmem>>
      %dma_wait3A_269 = tpu.memref_squeeze %dma_wait3A_268 : memref<1x128x128xf32, #tpu.memory_space<vmem>> -> memref<128x128xf32, #tpu.memory_space<vmem>>
      %dma_wait3A_270 = arith.constant 0 : i32
      %dma_wait3A_271 = arith.constant 0 : i32
      %dma_wait3A_272 = tpu.memref_slice %arg3[%dma_wait3A_270, %dma_wait3A_271] : memref<100000x128xf32, #tpu.memory_space<hbm>> -> memref<128x128xf32, #tpu.memory_space<hbm>>
      %dma_wait3A_273 = arith.constant 0 : i32
      %dma_wait3A_274 = arith.constant 0 : i32
      %dma_wait3A_275 = tpu.memref_slice %arg6[%dma_wait3A_265, %dma_wait3A_273, %dma_wait3A_274] : memref<3x256x128xf32, #tpu.memory_space<vmem>> -> memref<1x128x128xf32, #tpu.memory_space<vmem>>
      %dma_wait3A_276 = tpu.memref_squeeze %dma_wait3A_275 : memref<1x128x128xf32, #tpu.memory_space<vmem>> -> memref<128x128xf32, #tpu.memory_space<vmem>>
      %dma_wait3A_277 = arith.constant 0 : i32
      %dma_wait3A_278 = arith.constant 0 : i32
      %dma_wait3A_279 = tpu.memref_slice %arg3[%dma_wait3A_277, %dma_wait3A_278] : memref<100000x128xf32, #tpu.memory_space<hbm>> -> memref<128x128xf32, #tpu.memory_space<hbm>>
      tpu.wait_dma2 semaphore(%arg7 : memref<!tpu.dma_semaphore, #tpu.memory_space<semaphore_mem>>) src(%dma_wait3A_279 : memref<128x128xf32, #tpu.memory_space<hbm>>) dst(%dma_wait3A_276 : memref<128x128xf32, #tpu.memory_space<vmem>>)
      %dma_wait3A_280 = arith.constant 0 : i32
      %dma_wait3A_281 = arith.constant 0 : i32
      %dma_wait3A_282 = arith.constant 0 : i32
      %dma_wait3A_283 = tpu.memref_slice %arg6[%dma_wait3A_280, %dma_wait3A_281, %dma_wait3A_282] : memref<3x256x128xf32, #tpu.memory_space<vmem>> -> memref<1x128x128xf32, #tpu.memory_space<vmem>>
      %dma_wait3A_284 = tpu.memref_squeeze %dma_wait3A_283 : memref<1x128x128xf32, #tpu.memory_space<vmem>> -> memref<128x128xf32, #tpu.memory_space<vmem>>
      %dma_wait3A_285 = arith.constant 0 : i32
      %dma_wait3A_286 = arith.constant 0 : i32
      %dma_wait3A_287 = tpu.memref_slice %arg3[%dma_wait3A_285, %dma_wait3A_286] : memref<100000x128xf32, #tpu.memory_space<hbm>> -> memref<128x128xf32, #tpu.memory_space<hbm>>
      %dma_wait3A_288 = arith.constant 0 : i32
      %dma_wait3A_289 = arith.constant 0 : i32
      %dma_wait3A_290 = tpu.memref_slice %arg6[%dma_wait3A_280, %dma_wait3A_288, %dma_wait3A_289] : memref<3x256x128xf32, #tpu.memory_space<vmem>> -> memref<1x128x128xf32, #tpu.memory_space<vmem>>
      %dma_wait3A_291 = tpu.memref_squeeze %dma_wait3A_290 : memref<1x128x128xf32, #tpu.memory_space<vmem>> -> memref<128x128xf32, #tpu.memory_space<vmem>>
      %dma_wait3A_292 = arith.constant 0 : i32
      %dma_wait3A_293 = arith.constant 0 : i32
      %dma_wait3A_294 = tpu.memref_slice %arg3[%dma_wait3A_292, %dma_wait3A_293] : memref<100000x128xf32, #tpu.memory_space<hbm>> -> memref<128x128xf32, #tpu.memory_space<hbm>>
      tpu.wait_dma2 semaphore(%arg7 : memref<!tpu.dma_semaphore, #tpu.memory_space<semaphore_mem>>) src(%dma_wait3A_294 : memref<128x128xf32, #tpu.memory_space<hbm>>) dst(%dma_wait3A_291 : memref<128x128xf32, #tpu.memory_space<vmem>>)
      %jit3A = arith.constant 3 : i32
      %eq3A = arith.constant 0 : i32
      %eq3A_295 = arith.cmpi eq, %jit3A, %eq3A : i32
      %jit3A_296 = arith.constant 1 : i32
      %select_n3A = arith.select %eq3A_295, %jit3A_296, %jit3A : i32
      %rem3A = arith.remsi %scan3A_264, %select_n3A : i32
      %ne3A = arith.constant 0 : i32
      %ne3A_297 = arith.cmpi ne, %rem3A, %ne3A : i32
      %lt3A = arith.constant 0 : i32
      %lt3A_298 = arith.cmpi slt, %rem3A, %lt3A : i32
      %lt3A_299 = arith.constant 0 : i32
      %lt3A_300 = arith.cmpi slt, %select_n3A, %lt3A_299 : i32
      %ne3A_301 = arith.xori %lt3A_298, %lt3A_300 : i1
      %and3A = arith.andi %ne3A_301, %ne3A_297 : i1
      %add3A_302 = arith.addi %rem3A, %select_n3A : i32
      %select_n3A_303 = arith.select %and3A, %add3A_302, %rem3A : i32
      %mul3A_304 = arith.constant 256 : i32
      %mul3A_305 = arith.muli %scan3A_264, %mul3A_304 : i32
      %add3A_306 = arith.addi %mul3A_2, %mul3A_305 : i32
      %dma_start3A_307 = arith.constant 0 : i32
      %dma_start3A_308 = arith.constant 0 : i32
      %dma_start3A_309 = tpu.memref_slice %arg6[%select_n3A_303, %dma_start3A_307, %dma_start3A_308] : memref<3x256x128xf32, #tpu.memory_space<vmem>> -> memref<1x256x128xf32, #tpu.memory_space<vmem>>
      %dma_start3A_310 = tpu.memref_squeeze %dma_start3A_309 : memref<1x256x128xf32, #tpu.memory_space<vmem>> -> memref<256x128xf32, #tpu.memory_space<vmem>>
      %dma_start3A_311 = tpu.memref_reshape %arg4 : memref<50x16384x128xf32, #tpu.memory_space<hbm>> -> memref<819200x128xf32, #tpu.memory_space<hbm>>
      %dma_start3A_312 = arith.constant 0 : i32
      %dma_start3A_313 = tpu.memref_slice %dma_start3A_311[%add3A_306, %dma_start3A_312] : memref<819200x128xf32, #tpu.memory_space<hbm>> -> memref<256x128xf32, #tpu.memory_space<hbm>>
      %dma_start3A_314 = tpu.memref_reshape %arg4 : memref<50x16384x128xf32, #tpu.memory_space<hbm>> -> memref<819200x128xf32, #tpu.memory_space<hbm>>
      %dma_start3A_315 = arith.constant 0 : i32
      %dma_start3A_316 = tpu.memref_slice %dma_start3A_314[%add3A_306, %dma_start3A_315] : memref<819200x128xf32, #tpu.memory_space<hbm>> -> memref<256x128xf32, #tpu.memory_space<hbm>>
      %dma_start3A_317 = arith.constant 0 : i32
      %dma_start3A_318 = arith.constant 0 : i32
      %dma_start3A_319 = tpu.memref_slice %arg6[%select_n3A_303, %dma_start3A_317, %dma_start3A_318] : memref<3x256x128xf32, #tpu.memory_space<vmem>> -> memref<1x256x128xf32, #tpu.memory_space<vmem>>
      %dma_start3A_320 = tpu.memref_squeeze %dma_start3A_319 : memref<1x256x128xf32, #tpu.memory_space<vmem>> -> memref<256x128xf32, #tpu.memory_space<vmem>>
      tpu.enqueue_dma source(%dma_start3A_320 : memref<256x128xf32, #tpu.memory_space<vmem>>) target(%dma_start3A_316 : memref<256x128xf32, #tpu.memory_space<hbm>>) target_semaphore(%arg8 : memref<!tpu.dma_semaphore, #tpu.memory_space<semaphore_mem>>)
      %dma_wait3A_321 = arith.constant 0 : i32
      %dma_wait3A_322 = arith.constant 0 : i32
      %dma_wait3A_323 = arith.constant 0 : i32
      %dma_wait3A_324 = tpu.memref_slice %arg6[%dma_wait3A_321, %dma_wait3A_322, %dma_wait3A_323] : memref<3x256x128xf32, #tpu.memory_space<vmem>> -> memref<1x256x128xf32, #tpu.memory_space<vmem>>
      %dma_wait3A_325 = tpu.memref_squeeze %dma_wait3A_324 : memref<1x256x128xf32, #tpu.memory_space<vmem>> -> memref<256x128xf32, #tpu.memory_space<vmem>>
      %dma_wait3A_326 = tpu.memref_reshape %arg4 : memref<50x16384x128xf32, #tpu.memory_space<hbm>> -> memref<819200x128xf32, #tpu.memory_space<hbm>>
      %dma_wait3A_327 = arith.constant 0 : i32
      %dma_wait3A_328 = tpu.memref_slice %dma_wait3A_326[%mul3A_2, %dma_wait3A_327] : memref<819200x128xf32, #tpu.memory_space<hbm>> -> memref<256x128xf32, #tpu.memory_space<hbm>>
      %dma_wait3A_329 = tpu.memref_reshape %arg4 : memref<50x16384x128xf32, #tpu.memory_space<hbm>> -> memref<819200x128xf32, #tpu.memory_space<hbm>>
      %dma_wait3A_330 = arith.constant 0 : i32
      %dma_wait3A_331 = tpu.memref_slice %dma_wait3A_329[%mul3A_2, %dma_wait3A_330] : memref<819200x128xf32, #tpu.memory_space<hbm>> -> memref<256x128xf32, #tpu.memory_space<hbm>>
      %dma_wait3A_332 = arith.constant 0 : i32
      %dma_wait3A_333 = arith.constant 0 : i32
      %dma_wait3A_334 = tpu.memref_slice %arg6[%dma_wait3A_321, %dma_wait3A_332, %dma_wait3A_333] : memref<3x256x128xf32, #tpu.memory_space<vmem>> -> memref<1x256x128xf32, #tpu.memory_space<vmem>>
      %dma_wait3A_335 = tpu.memref_squeeze %dma_wait3A_334 : memref<1x256x128xf32, #tpu.memory_space<vmem>> -> memref<256x128xf32, #tpu.memory_space<vmem>>
      tpu.wait_dma2 semaphore(%arg8 : memref<!tpu.dma_semaphore, #tpu.memory_space<semaphore_mem>>) src(%dma_wait3A_335 : memref<256x128xf32, #tpu.memory_space<vmem>>) dst(%dma_wait3A_331 : memref<256x128xf32, #tpu.memory_space<hbm>>)
      %add3A_336 = arith.constant 2 : i32
      %add3A_337 = arith.addi %scan3A_264, %add3A_336 : i32
      %mul3A_338 = arith.constant 2 : i32
      %mul3A_339 = arith.muli %mul3A_338, %add3A_337 : i32
      %jit3A_340 = arith.constant 3 : i32
      %eq3A_341 = arith.constant 0 : i32
      %eq3A_342 = arith.cmpi eq, %jit3A_340, %eq3A_341 : i32
      %jit3A_343 = arith.constant 1 : i32
      %select_n3A_344 = arith.select %eq3A_342, %jit3A_343, %jit3A_340 : i32
      %rem3A_345 = arith.remsi %add3A_337, %select_n3A_344 : i32
      %ne3A_346 = arith.constant 0 : i32
      %ne3A_347 = arith.cmpi ne, %rem3A_345, %ne3A_346 : i32
      %lt3A_348 = arith.constant 0 : i32
      %lt3A_349 = arith.cmpi slt, %rem3A_345, %lt3A_348 : i32
      %lt3A_350 = arith.constant 0 : i32
      %lt3A_351 = arith.cmpi slt, %select_n3A_344, %lt3A_350 : i32
      %ne3A_352 = arith.xori %lt3A_349, %lt3A_351 : i1
      %and3A_353 = arith.andi %ne3A_352, %ne3A_347 : i1
      %add3A_354 = arith.addi %rem3A_345, %select_n3A_344 : i32
      %select_n3A_355 = arith.select %and3A_353, %add3A_354, %rem3A_345 : i32
      %jit3A_356 = arith.constant 2 : i32
      %eq3A_357 = arith.constant 0 : i32
      %eq3A_358 = arith.cmpi eq, %jit3A_356, %eq3A_357 : i32
      %jit3A_359 = arith.constant 1 : i32
      %select_n3A_360 = arith.select %eq3A_358, %jit3A_359, %jit3A_356 : i32
      %rem3A_361 = arith.remsi %mul3A_339, %select_n3A_360 : i32
      %ne3A_362 = arith.constant 0 : i32
      %ne3A_363 = arith.cmpi ne, %rem3A_361, %ne3A_362 : i32
      %lt3A_364 = arith.constant 0 : i32
      %lt3A_365 = arith.cmpi slt, %rem3A_361, %lt3A_364 : i32
      %lt3A_366 = arith.constant 0 : i32
      %lt3A_367 = arith.cmpi slt, %select_n3A_360, %lt3A_366 : i32
      %ne3A_368 = arith.xori %lt3A_365, %lt3A_367 : i1
      %and3A_369 = arith.andi %ne3A_368, %ne3A_363 : i1
      %add3A_370 = arith.addi %rem3A_361, %select_n3A_360 : i32
      %select_n3A_371 = arith.select %and3A_369, %add3A_370, %rem3A_361 : i32
      %mul3A_372 = arith.constant 128 : i32
      %mul3A_373 = arith.muli %select_n3A_371, %mul3A_372 : i32
      %dma_start3A_374 = arith.constant 0 : i32
      %dma_start3A_375 = tpu.memref_slice %arg6[%select_n3A_355, %mul3A_373, %dma_start3A_374] : memref<3x256x128xf32, #tpu.memory_space<vmem>> -> memref<1x128x128xf32, #tpu.memory_space<vmem>>
      %dma_start3A_376 = tpu.memref_squeeze %dma_start3A_375 : memref<1x128x128xf32, #tpu.memory_space<vmem>> -> memref<128x128xf32, #tpu.memory_space<vmem>>
      %dma_start3A_377 = arith.constant 0 : i32
      %dma_start3A_378 = tpu.memref_slice %arg5[%mul3A_339, %dma_start3A_377] : memref<200x128xi32, #tpu.memory_space<vmem>> -> memref<1x128xi32, #tpu.memory_space<vmem>>
      %dma_start3A_379 = tpu.memref_squeeze %dma_start3A_378 : memref<1x128xi32, #tpu.memory_space<vmem>> -> memref<128xi32, #tpu.memory_space<vmem>>
      %dma_start3A_380 = arith.constant 0 : i32
      %dma_start3A_381 = arith.constant 0 : i32
      %dma_start3A_382 = tpu.memref_slice %arg3[%dma_start3A_380, %dma_start3A_381] : memref<100000x128xf32, #tpu.memory_space<hbm>> -> memref<100000x128xf32, #tpu.memory_space<hbm>>
      tpu.enqueue_indirect_dma source(%dma_start3A_382 : memref<100000x128xf32, #tpu.memory_space<hbm>>) target(%dma_start3A_376 : memref<128x128xf32, #tpu.memory_space<vmem>>) offsets(%dma_start3A_379 : memref<128xi32, #tpu.memory_space<vmem>>) semaphore(%arg7 : memref<!tpu.dma_semaphore, #tpu.memory_space<semaphore_mem>>)
      %mul3A_383 = arith.constant 2 : i32
      %mul3A_384 = arith.muli %mul3A_383, %add3A_337 : i32
      %add3A_385 = arith.constant 1 : i32
      %add3A_386 = arith.addi %mul3A_384, %add3A_385 : i32
      %jit3A_387 = arith.constant 3 : i32
      %eq3A_388 = arith.constant 0 : i32
      %eq3A_389 = arith.cmpi eq, %jit3A_387, %eq3A_388 : i32
      %jit3A_390 = arith.constant 1 : i32
      %select_n3A_391 = arith.select %eq3A_389, %jit3A_390, %jit3A_387 : i32
      %rem3A_392 = arith.remsi %add3A_337, %select_n3A_391 : i32
      %ne3A_393 = arith.constant 0 : i32
      %ne3A_394 = arith.cmpi ne, %rem3A_392, %ne3A_393 : i32
      %lt3A_395 = arith.constant 0 : i32
      %lt3A_396 = arith.cmpi slt, %rem3A_392, %lt3A_395 : i32
      %lt3A_397 = arith.constant 0 : i32
      %lt3A_398 = arith.cmpi slt, %select_n3A_391, %lt3A_397 : i32
      %ne3A_399 = arith.xori %lt3A_396, %lt3A_398 : i1
      %and3A_400 = arith.andi %ne3A_399, %ne3A_394 : i1
      %add3A_401 = arith.addi %rem3A_392, %select_n3A_391 : i32
      %select_n3A_402 = arith.select %and3A_400, %add3A_401, %rem3A_392 : i32
      %jit3A_403 = arith.constant 2 : i32
      %eq3A_404 = arith.constant 0 : i32
      %eq3A_405 = arith.cmpi eq, %jit3A_403, %eq3A_404 : i32
      %jit3A_406 = arith.constant 1 : i32
      %select_n3A_407 = arith.select %eq3A_405, %jit3A_406, %jit3A_403 : i32
      %rem3A_408 = arith.remsi %add3A_386, %select_n3A_407 : i32
      %ne3A_409 = arith.constant 0 : i32
      %ne3A_410 = arith.cmpi ne, %rem3A_408, %ne3A_409 : i32
      %lt3A_411 = arith.constant 0 : i32
      %lt3A_412 = arith.cmpi slt, %rem3A_408, %lt3A_411 : i32
      %lt3A_413 = arith.constant 0 : i32
      %lt3A_414 = arith.cmpi slt, %select_n3A_407, %lt3A_413 : i32
      %ne3A_415 = arith.xori %lt3A_412, %lt3A_414 : i1
      %and3A_416 = arith.andi %ne3A_415, %ne3A_410 : i1
      %add3A_417 = arith.addi %rem3A_408, %select_n3A_407 : i32
      %select_n3A_418 = arith.select %and3A_416, %add3A_417, %rem3A_408 : i32
      %mul3A_419 = arith.constant 128 : i32
      %mul3A_420 = arith.muli %select_n3A_418, %mul3A_419 : i32
      %dma_start3A_421 = arith.constant 0 : i32
      %dma_start3A_422 = tpu.memref_slice %arg6[%select_n3A_402, %mul3A_420, %dma_start3A_421] : memref<3x256x128xf32, #tpu.memory_space<vmem>> -> memref<1x128x128xf32, #tpu.memory_space<vmem>>
      %dma_start3A_423 = tpu.memref_squeeze %dma_start3A_422 : memref<1x128x128xf32, #tpu.memory_space<vmem>> -> memref<128x128xf32, #tpu.memory_space<vmem>>
      %dma_start3A_424 = arith.constant 0 : i32
      %dma_start3A_425 = tpu.memref_slice %arg5[%add3A_386, %dma_start3A_424] : memref<200x128xi32, #tpu.memory_space<vmem>> -> memref<1x128xi32, #tpu.memory_space<vmem>>
      %dma_start3A_426 = tpu.memref_squeeze %dma_start3A_425 : memref<1x128xi32, #tpu.memory_space<vmem>> -> memref<128xi32, #tpu.memory_space<vmem>>
      %dma_start3A_427 = arith.constant 0 : i32
      %dma_start3A_428 = arith.constant 0 : i32
      %dma_start3A_429 = tpu.memref_slice %arg3[%dma_start3A_427, %dma_start3A_428] : memref<100000x128xf32, #tpu.memory_space<hbm>> -> memref<100000x128xf32, #tpu.memory_space<hbm>>
      tpu.enqueue_indirect_dma source(%dma_start3A_429 : memref<100000x128xf32, #tpu.memory_space<hbm>>) target(%dma_start3A_423 : memref<128x128xf32, #tpu.memory_space<vmem>>) offsets(%dma_start3A_426 : memref<128xi32, #tpu.memory_space<vmem>>) semaphore(%arg7 : memref<!tpu.dma_semaphore, #tpu.memory_space<semaphore_mem>>)
    }
    %scan3A_124 = arith.constant 97 : i32
    %dma_wait3A_125 = arith.constant 0 : i32
    %dma_wait3A_126 = arith.constant 0 : i32
    %dma_wait3A_127 = arith.constant 0 : i32
    %dma_wait3A_128 = tpu.memref_slice %arg6[%dma_wait3A_125, %dma_wait3A_126, %dma_wait3A_127] : memref<3x256x128xf32, #tpu.memory_space<vmem>> -> memref<1x128x128xf32, #tpu.memory_space<vmem>>
    %dma_wait3A_129 = tpu.memref_squeeze %dma_wait3A_128 : memref<1x128x128xf32, #tpu.memory_space<vmem>> -> memref<128x128xf32, #tpu.memory_space<vmem>>
    %dma_wait3A_130 = arith.constant 0 : i32
    %dma_wait3A_131 = arith.constant 0 : i32
    %dma_wait3A_132 = tpu.memref_slice %arg3[%dma_wait3A_130, %dma_wait3A_131] : memref<100000x128xf32, #tpu.memory_space<hbm>> -> memref<128x128xf32, #tpu.memory_space<hbm>>
    %dma_wait3A_133 = arith.constant 0 : i32
    %dma_wait3A_134 = arith.constant 0 : i32
    %dma_wait3A_135 = tpu.memref_slice %arg6[%dma_wait3A_125, %dma_wait3A_133, %dma_wait3A_134] : memref<3x256x128xf32, #tpu.memory_space<vmem>> -> memref<1x128x128xf32, #tpu.memory_space<vmem>>
    %dma_wait3A_136 = tpu.memref_squeeze %dma_wait3A_135 : memref<1x128x128xf32, #tpu.memory_space<vmem>> -> memref<128x128xf32, #tpu.memory_space<vmem>>
    %dma_wait3A_137 = arith.constant 0 : i32
    %dma_wait3A_138 = arith.constant 0 : i32
    %dma_wait3A_139 = tpu.memref_slice %arg3[%dma_wait3A_137, %dma_wait3A_138] : memref<100000x128xf32, #tpu.memory_space<hbm>> -> memref<128x128xf32, #tpu.memory_space<hbm>>
    tpu.wait_dma2 semaphore(%arg7 : memref<!tpu.dma_semaphore, #tpu.memory_space<semaphore_mem>>) src(%dma_wait3A_139 : memref<128x128xf32, #tpu.memory_space<hbm>>) dst(%dma_wait3A_136 : memref<128x128xf32, #tpu.memory_space<vmem>>)
    %dma_wait3A_140 = arith.constant 0 : i32
    %dma_wait3A_141 = arith.constant 0 : i32
    %dma_wait3A_142 = arith.constant 0 : i32
    %dma_wait3A_143 = tpu.memref_slice %arg6[%dma_wait3A_140, %dma_wait3A_141, %dma_wait3A_142] : memref<3x256x128xf32, #tpu.memory_space<vmem>> -> memref<1x128x128xf32, #tpu.memory_space<vmem>>
    %dma_wait3A_144 = tpu.memref_squeeze %dma_wait3A_143 : memref<1x128x128xf32, #tpu.memory_space<vmem>> -> memref<128x128xf32, #tpu.memory_space<vmem>>
    %dma_wait3A_145 = arith.constant 0 : i32
    %dma_wait3A_146 = arith.constant 0 : i32
    %dma_wait3A_147 = tpu.memref_slice %arg3[%dma_wait3A_145, %dma_wait3A_146] : memref<100000x128xf32, #tpu.memory_space<hbm>> -> memref<128x128xf32, #tpu.memory_space<hbm>>
    %dma_wait3A_148 = arith.constant 0 : i32
    %dma_wait3A_149 = arith.constant 0 : i32
    %dma_wait3A_150 = tpu.memref_slice %arg6[%dma_wait3A_140, %dma_wait3A_148, %dma_wait3A_149] : memref<3x256x128xf32, #tpu.memory_space<vmem>> -> memref<1x128x128xf32, #tpu.memory_space<vmem>>
    %dma_wait3A_151 = tpu.memref_squeeze %dma_wait3A_150 : memref<1x128x128xf32, #tpu.memory_space<vmem>> -> memref<128x128xf32, #tpu.memory_space<vmem>>
    %dma_wait3A_152 = arith.constant 0 : i32
    %dma_wait3A_153 = arith.constant 0 : i32
    %dma_wait3A_154 = tpu.memref_slice %arg3[%dma_wait3A_152, %dma_wait3A_153] : memref<100000x128xf32, #tpu.memory_space<hbm>> -> memref<128x128xf32, #tpu.memory_space<hbm>>
    tpu.wait_dma2 semaphore(%arg7 : memref<!tpu.dma_semaphore, #tpu.memory_space<semaphore_mem>>) src(%dma_wait3A_154 : memref<128x128xf32, #tpu.memory_space<hbm>>) dst(%dma_wait3A_151 : memref<128x128xf32, #tpu.memory_space<vmem>>)
    %add3A_155 = arith.constant 25088 : i32
    %add3A_156 = arith.addi %mul3A_2, %add3A_155 : i32
    %dma_start3A_157 = arith.constant 2 : i32
    %dma_start3A_158 = arith.constant 0 : i32
    %dma_start3A_159 = arith.constant 0 : i32
    %dma_start3A_160 = tpu.memref_slice %arg6[%dma_start3A_157, %dma_start3A_158, %dma_start3A_159] : memref<3x256x128xf32, #tpu.memory_space<vmem>> -> memref<1x256x128xf32, #tpu.memory_space<vmem>>
    %dma_start3A_161 = tpu.memref_squeeze %dma_start3A_160 : memref<1x256x128xf32, #tpu.memory_space<vmem>> -> memref<256x128xf32, #tpu.memory_space<vmem>>
    %dma_start3A_162 = tpu.memref_reshape %arg4 : memref<50x16384x128xf32, #tpu.memory_space<hbm>> -> memref<819200x128xf32, #tpu.memory_space<hbm>>
    %dma_start3A_163 = arith.constant 0 : i32
    %dma_start3A_164 = tpu.memref_slice %dma_start3A_162[%add3A_156, %dma_start3A_163] : memref<819200x128xf32, #tpu.memory_space<hbm>> -> memref<256x128xf32, #tpu.memory_space<hbm>>
    %dma_start3A_165 = tpu.memref_reshape %arg4 : memref<50x16384x128xf32, #tpu.memory_space<hbm>> -> memref<819200x128xf32, #tpu.memory_space<hbm>>
    %dma_start3A_166 = arith.constant 0 : i32
    %dma_start3A_167 = tpu.memref_slice %dma_start3A_165[%add3A_156, %dma_start3A_166] : memref<819200x128xf32, #tpu.memory_space<hbm>> -> memref<256x128xf32, #tpu.memory_space<hbm>>
    %dma_start3A_168 = arith.constant 0 : i32
    %dma_start3A_169 = arith.constant 0 : i32
    %dma_start3A_170 = tpu.memref_slice %arg6[%dma_start3A_157, %dma_start3A_168, %dma_start3A_169] : memref<3x256x128xf32, #tpu.memory_space<vmem>> -> memref<1x256x128xf32, #tpu.memory_space<vmem>>
    %dma_start3A_171 = tpu.memref_squeeze %dma_start3A_170 : memref<1x256x128xf32, #tpu.memory_space<vmem>> -> memref<256x128xf32, #tpu.memory_space<vmem>>
    tpu.enqueue_dma source(%dma_start3A_171 : memref<256x128xf32, #tpu.memory_space<vmem>>) target(%dma_start3A_167 : memref<256x128xf32, #tpu.memory_space<hbm>>) target_semaphore(%arg8 : memref<!tpu.dma_semaphore, #tpu.memory_space<semaphore_mem>>)
    %dma_wait3A_172 = arith.constant 0 : i32
    %dma_wait3A_173 = arith.constant 0 : i32
    %dma_wait3A_174 = arith.constant 0 : i32
    %dma_wait3A_175 = tpu.memref_slice %arg6[%dma_wait3A_172, %dma_wait3A_173, %dma_wait3A_174] : memref<3x256x128xf32, #tpu.memory_space<vmem>> -> memref<1x256x128xf32, #tpu.memory_space<vmem>>
    %dma_wait3A_176 = tpu.memref_squeeze %dma_wait3A_175 : memref<1x256x128xf32, #tpu.memory_space<vmem>> -> memref<256x128xf32, #tpu.memory_space<vmem>>
    %dma_wait3A_177 = tpu.memref_reshape %arg4 : memref<50x16384x128xf32, #tpu.memory_space<hbm>> -> memref<819200x128xf32, #tpu.memory_space<hbm>>
    %dma_wait3A_178 = arith.constant 0 : i32
    %dma_wait3A_179 = tpu.memref_slice %dma_wait3A_177[%mul3A_2, %dma_wait3A_178] : memref<819200x128xf32, #tpu.memory_space<hbm>> -> memref<256x128xf32, #tpu.memory_space<hbm>>
    %dma_wait3A_180 = tpu.memref_reshape %arg4 : memref<50x16384x128xf32, #tpu.memory_space<hbm>> -> memref<819200x128xf32, #tpu.memory_space<hbm>>
    %dma_wait3A_181 = arith.constant 0 : i32
    %dma_wait3A_182 = tpu.memref_slice %dma_wait3A_180[%mul3A_2, %dma_wait3A_181] : memref<819200x128xf32, #tpu.memory_space<hbm>> -> memref<256x128xf32, #tpu.memory_space<hbm>>
    %dma_wait3A_183 = arith.constant 0 : i32
    %dma_wait3A_184 = arith.constant 0 : i32
    %dma_wait3A_185 = tpu.memref_slice %arg6[%dma_wait3A_172, %dma_wait3A_183, %dma_wait3A_184] : memref<3x256x128xf32, #tpu.memory_space<vmem>> -> memref<1x256x128xf32, #tpu.memory_space<vmem>>
    %dma_wait3A_186 = tpu.memref_squeeze %dma_wait3A_185 : memref<1x256x128xf32, #tpu.memory_space<vmem>> -> memref<256x128xf32, #tpu.memory_space<vmem>>
    tpu.wait_dma2 semaphore(%arg8 : memref<!tpu.dma_semaphore, #tpu.memory_space<semaphore_mem>>) src(%dma_wait3A_186 : memref<256x128xf32, #tpu.memory_space<vmem>>) dst(%dma_wait3A_182 : memref<256x128xf32, #tpu.memory_space<hbm>>)
    %dma_wait3A_187 = arith.constant 0 : i32
    %dma_wait3A_188 = arith.constant 0 : i32
    %dma_wait3A_189 = arith.constant 0 : i32
    %dma_wait3A_190 = tpu.memref_slice %arg6[%dma_wait3A_187, %dma_wait3A_188, %dma_wait3A_189] : memref<3x256x128xf32, #tpu.memory_space<vmem>> -> memref<1x128x128xf32, #tpu.memory_space<vmem>>
    %dma_wait3A_191 = tpu.memref_squeeze %dma_wait3A_190 : memref<1x128x128xf32, #tpu.memory_space<vmem>> -> memref<128x128xf32, #tpu.memory_space<vmem>>
    %dma_wait3A_192 = arith.constant 0 : i32
    %dma_wait3A_193 = arith.constant 0 : i32
    %dma_wait3A_194 = tpu.memref_slice %arg3[%dma_wait3A_192, %dma_wait3A_193] : memref<100000x128xf32, #tpu.memory_space<hbm>> -> memref<128x128xf32, #tpu.memory_space<hbm>>
    %dma_wait3A_195 = arith.constant 0 : i32
    %dma_wait3A_196 = arith.constant 0 : i32
    %dma_wait3A_197 = tpu.memref_slice %arg6[%dma_wait3A_187, %dma_wait3A_195, %dma_wait3A_196] : memref<3x256x128xf32, #tpu.memory_space<vmem>> -> memref<1x128x128xf32, #tpu.memory_space<vmem>>
    %dma_wait3A_198 = tpu.memref_squeeze %dma_wait3A_197 : memref<1x128x128xf32, #tpu.memory_space<vmem>> -> memref<128x128xf32, #tpu.memory_space<vmem>>
    %dma_wait3A_199 = arith.constant 0 : i32
    %dma_wait3A_200 = arith.constant 0 : i32
    %dma_wait3A_201 = tpu.memref_slice %arg3[%dma_wait3A_199, %dma_wait3A_200] : memref<100000x128xf32, #tpu.memory_space<hbm>> -> memref<128x128xf32, #tpu.memory_space<hbm>>
    tpu.wait_dma2 semaphore(%arg7 : memref<!tpu.dma_semaphore, #tpu.memory_space<semaphore_mem>>) src(%dma_wait3A_201 : memref<128x128xf32, #tpu.memory_space<hbm>>) dst(%dma_wait3A_198 : memref<128x128xf32, #tpu.memory_space<vmem>>)
    %dma_wait3A_202 = arith.constant 0 : i32
    %dma_wait3A_203 = arith.constant 0 : i32
    %dma_wait3A_204 = arith.constant 0 : i32
    %dma_wait3A_205 = tpu.memref_slice %arg6[%dma_wait3A_202, %dma_wait3A_203, %dma_wait3A_204] : memref<3x256x128xf32, #tpu.memory_space<vmem>> -> memref<1x128x128xf32, #tpu.memory_space<vmem>>
    %dma_wait3A_206 = tpu.memref_squeeze %dma_wait3A_205 : memref<1x128x128xf32, #tpu.memory_space<vmem>> -> memref<128x128xf32, #tpu.memory_space<vmem>>
    %dma_wait3A_207 = arith.constant 0 : i32
    %dma_wait3A_208 = arith.constant 0 : i32
    %dma_wait3A_209 = tpu.memref_slice %arg3[%dma_wait3A_207, %dma_wait3A_208] : memref<100000x128xf32, #tpu.memory_space<hbm>> -> memref<128x128xf32, #tpu.memory_space<hbm>>
    %dma_wait3A_210 = arith.constant 0 : i32
    %dma_wait3A_211 = arith.constant 0 : i32
    %dma_wait3A_212 = tpu.memref_slice %arg6[%dma_wait3A_202, %dma_wait3A_210, %dma_wait3A_211] : memref<3x256x128xf32, #tpu.memory_space<vmem>> -> memref<1x128x128xf32, #tpu.memory_space<vmem>>
    %dma_wait3A_213 = tpu.memref_squeeze %dma_wait3A_212 : memref<1x128x128xf32, #tpu.memory_space<vmem>> -> memref<128x128xf32, #tpu.memory_space<vmem>>
    %dma_wait3A_214 = arith.constant 0 : i32
    %dma_wait3A_215 = arith.constant 0 : i32
    %dma_wait3A_216 = tpu.memref_slice %arg3[%dma_wait3A_214, %dma_wait3A_215] : memref<100000x128xf32, #tpu.memory_space<hbm>> -> memref<128x128xf32, #tpu.memory_space<hbm>>
    tpu.wait_dma2 semaphore(%arg7 : memref<!tpu.dma_semaphore, #tpu.memory_space<semaphore_mem>>) src(%dma_wait3A_216 : memref<128x128xf32, #tpu.memory_space<hbm>>) dst(%dma_wait3A_213 : memref<128x128xf32, #tpu.memory_space<vmem>>)
    %add3A_217 = arith.constant 25344 : i32
    %add3A_218 = arith.addi %mul3A_2, %add3A_217 : i32
    %dma_start3A_219 = arith.constant 0 : i32
    %dma_start3A_220 = arith.constant 0 : i32
    %dma_start3A_221 = arith.constant 0 : i32
    %dma_start3A_222 = tpu.memref_slice %arg6[%dma_start3A_219, %dma_start3A_220, %dma_start3A_221] : memref<3x256x128xf32, #tpu.memory_space<vmem>> -> memref<1x256x128xf32, #tpu.memory_space<vmem>>
    %dma_start3A_223 = tpu.memref_squeeze %dma_start3A_222 : memref<1x256x128xf32, #tpu.memory_space<vmem>> -> memref<256x128xf32, #tpu.memory_space<vmem>>
    %dma_start3A_224 = tpu.memref_reshape %arg4 : memref<50x16384x128xf32, #tpu.memory_space<hbm>> -> memref<819200x128xf32, #tpu.memory_space<hbm>>
    %dma_start3A_225 = arith.constant 0 : i32
    %dma_start3A_226 = tpu.memref_slice %dma_start3A_224[%add3A_218, %dma_start3A_225] : memref<819200x128xf32, #tpu.memory_space<hbm>> -> memref<256x128xf32, #tpu.memory_space<hbm>>
    %dma_start3A_227 = tpu.memref_reshape %arg4 : memref<50x16384x128xf32, #tpu.memory_space<hbm>> -> memref<819200x128xf32, #tpu.memory_space<hbm>>
    %dma_start3A_228 = arith.constant 0 : i32
    %dma_start3A_229 = tpu.memref_slice %dma_start3A_227[%add3A_218, %dma_start3A_228] : memref<819200x128xf32, #tpu.memory_space<hbm>> -> memref<256x128xf32, #tpu.memory_space<hbm>>
    %dma_start3A_230 = arith.constant 0 : i32
    %dma_start3A_231 = arith.constant 0 : i32
    %dma_start3A_232 = tpu.memref_slice %arg6[%dma_start3A_219, %dma_start3A_230, %dma_start3A_231] : memref<3x256x128xf32, #tpu.memory_space<vmem>> -> memref<1x256x128xf32, #tpu.memory_space<vmem>>
    %dma_start3A_233 = tpu.memref_squeeze %dma_start3A_232 : memref<1x256x128xf32, #tpu.memory_space<vmem>> -> memref<256x128xf32, #tpu.memory_space<vmem>>
    tpu.enqueue_dma source(%dma_start3A_233 : memref<256x128xf32, #tpu.memory_space<vmem>>) target(%dma_start3A_229 : memref<256x128xf32, #tpu.memory_space<hbm>>) target_semaphore(%arg8 : memref<!tpu.dma_semaphore, #tpu.memory_space<semaphore_mem>>)
    %dma_wait3A_234 = arith.constant 0 : i32
    %dma_wait3A_235 = arith.constant 0 : i32
    %dma_wait3A_236 = arith.constant 0 : i32
    %dma_wait3A_237 = tpu.memref_slice %arg6[%dma_wait3A_234, %dma_wait3A_235, %dma_wait3A_236] : memref<3x256x128xf32, #tpu.memory_space<vmem>> -> memref<1x256x128xf32, #tpu.memory_space<vmem>>
    %dma_wait3A_238 = tpu.memref_squeeze %dma_wait3A_237 : memref<1x256x128xf32, #tpu.memory_space<vmem>> -> memref<256x128xf32, #tpu.memory_space<vmem>>
    %dma_wait3A_239 = tpu.memref_reshape %arg4 : memref<50x16384x128xf32, #tpu.memory_space<hbm>> -> memref<819200x128xf32, #tpu.memory_space<hbm>>
    %dma_wait3A_240 = arith.constant 0 : i32
    %dma_wait3A_241 = tpu.memref_slice %dma_wait3A_239[%mul3A_2, %dma_wait3A_240] : memref<819200x128xf32, #tpu.memory_space<hbm>> -> memref<256x128xf32, #tpu.memory_space<hbm>>
    %dma_wait3A_242 = tpu.memref_reshape %arg4 : memref<50x16384x128xf32, #tpu.memory_space<hbm>> -> memref<819200x128xf32, #tpu.memory_space<hbm>>
    %dma_wait3A_243 = arith.constant 0 : i32
    %dma_wait3A_244 = tpu.memref_slice %dma_wait3A_242[%mul3A_2, %dma_wait3A_243] : memref<819200x128xf32, #tpu.memory_space<hbm>> -> memref<256x128xf32, #tpu.memory_space<hbm>>
    %dma_wait3A_245 = arith.constant 0 : i32
    %dma_wait3A_246 = arith.constant 0 : i32
    %dma_wait3A_247 = tpu.memref_slice %arg6[%dma_wait3A_234, %dma_wait3A_245, %dma_wait3A_246] : memref<3x256x128xf32, #tpu.memory_space<vmem>> -> memref<1x256x128xf32, #tpu.memory_space<vmem>>
    %dma_wait3A_248 = tpu.memref_squeeze %dma_wait3A_247 : memref<1x256x128xf32, #tpu.memory_space<vmem>> -> memref<256x128xf32, #tpu.memory_space<vmem>>
    tpu.wait_dma2 semaphore(%arg8 : memref<!tpu.dma_semaphore, #tpu.memory_space<semaphore_mem>>) src(%dma_wait3A_248 : memref<256x128xf32, #tpu.memory_space<vmem>>) dst(%dma_wait3A_244 : memref<256x128xf32, #tpu.memory_space<hbm>>)
    %dma_wait3A_249 = arith.constant 0 : i32
    %dma_wait3A_250 = arith.constant 0 : i32
    %dma_wait3A_251 = arith.constant 0 : i32
    %dma_wait3A_252 = tpu.memref_slice %arg6[%dma_wait3A_249, %dma_wait3A_250, %dma_wait3A_251] : memref<3x256x128xf32, #tpu.memory_space<vmem>> -> memref<1x256x128xf32, #tpu.memory_space<vmem>>
    %dma_wait3A_253 = tpu.memref_squeeze %dma_wait3A_252 : memref<1x256x128xf32, #tpu.memory_space<vmem>> -> memref<256x128xf32, #tpu.memory_space<vmem>>
    %dma_wait3A_254 = tpu.memref_reshape %arg4 : memref<50x16384x128xf32, #tpu.memory_space<hbm>> -> memref<819200x128xf32, #tpu.memory_space<hbm>>
    %dma_wait3A_255 = arith.constant 0 : i32
    %dma_wait3A_256 = tpu.memref_slice %dma_wait3A_254[%mul3A_2, %dma_wait3A_255] : memref<819200x128xf32, #tpu.memory_space<hbm>> -> memref<256x128xf32, #tpu.memory_space<hbm>>
    %dma_wait3A_257 = tpu.memref_reshape %arg4 : memref<50x16384x128xf32, #tpu.memory_space<hbm>> -> memref<819200x128xf32, #tpu.memory_space<hbm>>
    %dma_wait3A_258 = arith.constant 0 : i32
    %dma_wait3A_259 = tpu.memref_slice %dma_wait3A_257[%mul3A_2, %dma_wait3A_258] : memref<819200x128xf32, #tpu.memory_space<hbm>> -> memref<256x128xf32, #tpu.memory_space<hbm>>
    %dma_wait3A_260 = arith.constant 0 : i32
    %dma_wait3A_261 = arith.constant 0 : i32
    %dma_wait3A_262 = tpu.memref_slice %arg6[%dma_wait3A_249, %dma_wait3A_260, %dma_wait3A_261] : memref<3x256x128xf32, #tpu.memory_space<vmem>> -> memref<1x256x128xf32, #tpu.memory_space<vmem>>
    %dma_wait3A_263 = tpu.memref_squeeze %dma_wait3A_262 : memref<1x256x128xf32, #tpu.memory_space<vmem>> -> memref<256x128xf32, #tpu.memory_space<vmem>>
    tpu.wait_dma2 semaphore(%arg8 : memref<!tpu.dma_semaphore, #tpu.memory_space<semaphore_mem>>) src(%dma_wait3A_263 : memref<256x128xf32, #tpu.memory_space<vmem>>) dst(%dma_wait3A_259 : memref<256x128xf32, #tpu.memory_space<hbm>>)
    return
  }
}

</mosaic_0001>

<sc_bundles>
// kernel: kernel.3.cloned.1.call-start
scs
__scs_entry_jumppad:
0x0: {  	(pc) =	sbr.rel $0x88, $3  }
0x1: {  	(tag) =	ssettag $0x0;
	lr =	simm.s32 $0x1  }
0x2: {  	[smem:$0x3F9F] =	sst lr;
	_ =	strace $0xD0000000  }
0x3: {  	_ = 	snop  }
0x4: {  	_ = 	snop  }
0x5: {  	_ = 	snop  }
0x6: {  	_ = 	snop  }
0x7: {  	_ = 	snop  }
__scs_overlays_trampoline_lowered:
0x8: {  	[smem:$0x3FAE] =	sst s0  }
0x9: {  	[smem:$0x3FAF] =	sst s1  }
0xa: {  	[smem:$0x3FB0] =	sst s2  }
0xb: {  	[smem:$0x3FB1] =	sst s3  }
0xc: {  	[smem:$0x3FB2] =	sst s4  }
0xd: {  	[smem:$0x3FB3] =	sst s5  }
0xe: {  	[smem:$0x3FB4] =	sst s6  }
0xf: {  	[smem:$0x3FB5] =	sst s7  }
0x10: {  	[smem:$0x3FB6] =	sst s8  }
0x11: {  	[smem:$0x3FB7] =	sst s9;
	s0 =	simm.s32 @!p0 $0x0  }
0x12: {  	s1 =	sld [smem:$0x3F9D];
	s0 =	simm.s32 @p0 $0x1  }
0x13: {  	[smem:$0x3FB8] =	sst s0;
	s0 =	simm.s32 @!p1 $0x0  }
0x14: {  	s2 =	sld [smem:$0x3F9C];
	s0 =	simm.s32 @p1 $0x1  }
0x15: {  	[smem:$0x3FB9] =	sst s0;
	s0 =	simm.s32 @!p2 $0x0  }
0x16: {  	s3 =	sld [smem:$0x3FDB];
	s0 =	simm.s32 @p2 $0x1  }
0x17: {  	s4 =	simm.s32 $0x1BF5;
	[smem:$0x3FBB] =	sst s0  }
0x18: {  	s0 =	sld [smem:$0x3F9E];
	_ =	swait.ge [sflag:s4], $0x0  }
0x19: {  	s7 =	sld [smem:$0x3F9F]  }
0x1a: {  	s8 =	sadd.s32 $0xFFFFE003, lr  }
0x1b: {  	s9 =	sadd.s32 $0xFFFFFEF7, lr;
	s5 =	simm.s32 $0xFFFFFFFF;
	p2 =	slt.u32 s8, $0xFFFFF086  }
0x1c: {  	p1 =	slt.u32 s9, $0xF7A;
	s5 =	simm.s32 @!p2 $0x0  }
0x1d: {  	s5 =	simm.s32 @p1 $0x1;
	p0 =	seq.s32 s7, s2  }
0x1e: {  	s7 =	smul.u32 @!p0 $0xF7A, s2;
	p2 =	seq.s32 @!p0 s5, $0x0  }
0x1f: {  	s9 =	smul.u32 $0xF7A, s1;
	s8 =	simm.s32 @!p0 $0x1BF5;
	p2 =	por !p2, p0  }
0x20: {  	[sflag:s8] =	ssyncset.s32 @!p0 $0xFFFFF086;
	s6 =	sadd.s32 @!p0 s3, s7;
	s7 =	simm.s32 @!p0 $0x108  }
0x21: {  	s3 =	sadd.s32 s3, s9;
	s6 =	sadd.s32 @!p0 $0x88, s6;
	s7 =	simm.s32 @p2 $0x1082  }
0x22: {  	[simem:s7], [sflag:s8] =	dma.local @!p0 [hbm:s6], $0xF7A  }
0x23: {  	s9 =	sor.u32 $0xD0000000, s2;
	s6 =	simm.s32 $0x108;
	_ =	swait.ge @!p0 [sflag:s8], $0x0  }
0x24: {  	s3 =	sadd.s32 $0x88, s3;
	s6 =	simm.s32 @!p1 $0x1082;
	[sflag:s4] =	ssyncset.s32 $0xFFFFF086  }
0x25: {  	[simem:s6], [sflag:s4] =	dma.local [hbm:s3], $0xF7A  }
0x26: {  	[smem:$0x3F9F] =	sst s1;
	(tag) =	ssettag s2;
	_ =	strace s9  }
0x27: {  	s1 =	sld [smem:$0x3FAF]  }
0x28: {  	s2 =	sld [smem:$0x3FB0]  }
0x29: {  	s4 =	sld [smem:$0x3FB2]  }
0x2a: {  	p0 =	seq.s32 s5, $0x0;
	s5 =	sld [smem:$0x3FB3]  }
0x2b: {  	s6 =	sld [smem:$0x3FB4]  }
0x2c: {  	s7 =	sld [smem:$0x3FB5]  }
0x2d: {  	s3 =	simm.s32 $0x108;
	s8 =	sld [smem:$0x3FB6]  }
0x2e: {  	s3 =	simm.s32 @!p0 $0x1082;
	s9 =	sld [smem:$0x3FB7]  }
0x2f: {  	lr =	sadd.s32 s0, s3;
	s0 =	sld [smem:$0x3FAE]  }
0x30: {  	s3 =	sld [smem:$0x3FB1]  }
0x31: {  	[smem:$0x3FBA] =	sst s10  }
0x32: {  	s10 =	sld [smem:$0x3FB8];
	_ =	sdelay $0x3  }
0x33: {  	p0 =	seq.s32 s10, $0x1;
	s10 =	sld [smem:$0x3FBA];
	_ =	sdelay $0x3  }
0x34: {  	[smem:$0x3FBA] =	sst s10  }
0x35: {  	s10 =	sld [smem:$0x3FB9];
	_ =	sdelay $0x3  }
0x36: {  	p1 =	seq.s32 s10, $0x1;
	s10 =	sld [smem:$0x3FBA];
	_ =	sdelay $0x3  }
0x37: {  	[smem:$0x3FBA] =	sst s10  }
0x38: {  	s10 =	sld [smem:$0x3FBB]  }
0x39: {  	_ = 	snop;
	(pc) =	sbr.ind lr, $3  }
0x3a: {  	_ = 	snop  }
0x3b: {  	_ = 	snop  }
0x3c: {  	p2 =	seq.s32 s10, $0x1;
	s10 =	sld [smem:$0x3FBA]  }
0x3d: {  	_ =	shalt  }
0x3e: {  	_ =	shalt  }
0x3f: {  	_ =	shalt  }
0x40: {  	_ =	shalt  }
0x41: {  	_ =	shalt  }
0x42: {  	_ =	shalt  }
0x43: {  	_ =	shalt  }
0x44: {  	_ =	shalt  }
0x45: {  	_ =	shalt  }
0x46: {  	_ =	shalt  }
0x47: {  	_ =	shalt  }
0x48: {  	_ =	shalt  }
0x49: {  	_ =	shalt  }
0x4a: {  	_ =	shalt  }
0x4b: {  	_ =	shalt  }
0x4c: {  	_ =	shalt  }
0x4d: {  	_ =	shalt  }
0x4e: {  	_ =	shalt  }
0x4f: {  	_ =	shalt  }
0x50: {  	_ =	shalt  }
0x51: {  	_ =	shalt  }
0x52: {  	_ =	shalt  }
0x53: {  	_ =	shalt  }
0x54: {  	_ =	shalt  }
0x55: {  	_ =	shalt  }
0x56: {  	_ =	shalt  }
0x57: {  	_ =	shalt  }
0x58: {  	_ =	shalt  }
0x59: {  	_ =	shalt  }
0x5a: {  	_ =	shalt  }
0x5b: {  	_ =	shalt  }
0x5c: {  	_ =	shalt  }
0x5d: {  	_ =	shalt  }
0x5e: {  	_ =	shalt  }
0x5f: {  	_ =	shalt  }
0x60: {  	_ =	shalt  }
0x61: {  	_ =	shalt  }
0x62: {  	_ =	shalt  }
0x63: {  	_ =	shalt  }
0x64: {  	_ =	shalt  }
0x65: {  	_ =	shalt  }
0x66: {  	_ =	shalt  }
0x67: {  	_ =	shalt  }
0x68: {  	_ =	shalt  }
0x69: {  	_ =	shalt  }
0x6a: {  	_ =	shalt  }
0x6b: {  	_ =	shalt  }
0x6c: {  	_ =	shalt  }
0x6d: {  	_ =	shalt  }
0x6e: {  	_ =	shalt  }
0x6f: {  	_ =	shalt  }
0x70: {  	_ =	shalt  }
0x71: {  	_ =	shalt  }
0x72: {  	_ =	shalt  }
0x73: {  	_ =	shalt  }
0x74: {  	_ =	shalt  }
0x75: {  	_ =	shalt  }
0x76: {  	_ =	shalt  }
0x77: {  	_ =	shalt  }
0x78: {  	_ =	shalt  }
0x79: {  	_ =	shalt  }
0x7a: {  	_ =	shalt  }
0x7b: {  	_ =	shalt  }
0x7c: {  	_ =	shalt  }
0x7d: {  	_ =	shalt  }
0x7e: {  	_ =	shalt  }
0x7f: {  	_ =	shalt  }
0x80: {  	_ =	shalt  }
0x81: {  	_ =	shalt  }
0x82: {  	_ =	shalt  }
0x83: {  	_ =	shalt  }
0x84: {  	_ =	shalt  }
0x85: {  	_ =	shalt  }
0x86: {  	_ =	shalt  }
0x87: {  	_ =	shalt  }
.Lfunc_end0:
.L_simem_size_0:
called_computation_lowered:
.L_overlay_start_0:
0x88: {  	s2 =	sld [smem:$0x3FD9]  }
0x89: {  	s3 =	sld [smem:$0x3FFE];
	_ =	sdelay $0x1  }
0x8a: {  	s1 =	srdreg.scid  }
0x8b: {  	s0 =	sand.u32 $0x1, s1  }
0x8c: {  	s17 =	sshll.u32 s0, $0xA;
	s2 =	sadd.s32 s3, s2  }
0x8d: {  	s2 =	sadd.s32 s2, s17  }
0x8e: {  	[smem:$0x3FC6] =	sst s2  }
0x8f: {  	_ = 	snop  }
0x90: {  	s2 =	sld [smem:$0x3FC8]  }
0x91: {  	s18 =	sld [smem:$0x3FD0];
	(tm) =	ssettm $0x1  }
0x92: {  	s4 =	sld [smem:$0x3FFB];
	_ =	sdelay $0x3  }
0x93: {  	_ =	strace s4  }
0x94: {  	s4 =	sld [smem:$0x3FFC];
	_ =	sdelay $0x3  }
0x95: {  	_ =	strace s4  }
0x96: {  	s4 =	sld [smem:$0x3FFD];
	_ =	sdelay $0x3  }
0x97: {  	_ =	strace s4  }
0x98: {  	_ =	strace $0x8FFFFFFF  }
0x99: {  	s19 =	sld [smem:$0x3FDB];
	_ =	sdelay $0x1  }
0x9a: {  	s5 =	simm.s32 $_scs_section_size  }
0x9b: {  	s6 =	simm.s32 $_size__tile_overlayer_lowered;
	s7 =	simm.s32 $_tile_overlayer_lowered  }
0x9c: {  	s22 =	simm.s32 $0x1BFF;
	s21 =	sshll.u32 s7, $0x1;
	s4 =	sadd.s32 s5, s19  }
0x9d: {  	s8 =	simm.s32 $0x0;
	s20 =	sshll.u32 s6, $0x1;
	s6 =	sadd.s32 s21, s4  }
0x9e: {  	[timem:s8], [sflag:s22] =	dma.local [hbm:s6], s20  }
0x9f: {  	_ =	swait.ge [sflag:s22], s20  }
0xa0: {  	s5 =	ssub.s32 $0x0, s20;
	[sflag:s22] =	ssyncset.done $0x0  }
0xa1: {  	[sflag:s22] =	ssyncadd.s32 s5;
	_ =	sdelay $0x1  }
0xa2: {  	s23 =	simm.s32 $0x1B8B  }
0xa3: {  	_ =	swait.ge [sflag:s23], $0x1  }
0xa4: {  	[sflag:s23] =	ssyncset.done $0x0  }
0xa5: {  	s25 =	simm.s32 $0x1B8E;
	s24 =	sld [smem:$0x3FFE];
	[sflag:s23] =	ssyncadd.s32 $0xFFFFFFFF  }
0xa6: {  	s26 =	simm.s32 $execute0_lowered;
	[smem:$0x3FD2] =	sst s25  }
0xa7: {  	s6 =	sshll.u32 s26, $0x1;
	_ =	strace $0x80000046;
	[dreg:$0x1] =	wrdreg $0xFFFFFFFF  }
0xa8: {  	s28 =	simm.s32 $_size_execute0_lowered;
	s4 =	sadd.s32 s4, s6;
	[dreg:$0x0] =	wrdreg $0x0  }
0xa9: {  	s6 =	sshll.u32 s28, $0x1;
	[dreg:$0x2] =	wrdreg s4  }
0xaa: {  	[dreg:$0x3] =	wrdreg s6  }
0xab: {  	[dreg:$0x4] =	wrdreg $0xC0  }
0xac: {  	_ =	task [dreg:s8], $0x5FFFF  }
0xad: {  	[dreg:$0x1] =	wrdreg $0xFFFFFFFF  }
0xae: {  	[dreg:$0x0] =	wrdreg $0x60  }
0xaf: {  	[dreg:$0x2] =	wrdreg s24  }
0xb0: {  	[dreg:$0x3] =	wrdreg s2  }
0xb1: {  	[dreg:$0x4] =	wrdreg s18  }
0xb2: {  	[dreg:$0x5] =	wrdreg $0x9  }
0xb3: {  	_ =	task.clear_ibuf [dreg:s8], $0x6FFFF;
	_ =	strace $0x90000046  }
0xb4: {  	s29 =	simm.s32 $0x9;
	_ =	strace $0x80000048  }
0xb5: {  	_ =	swait.ge [sflag:s29], $0x1  }
0xb6: {  	[sflag:s29] =	ssyncadd.s32 $0xFFFFFFFF  }
0xb7: {  	_ =	strace $0x90000048  }
0xb8: {  	_ =	sfence  }
0xb9: {  	s30 =	sld [smem:$0x0];
	_ =	sdelay $0x2  }
0xba: {  	s31 =	sshll.u32 s1, $0xD;
	s1 =	sshrl.u32 s1, $0x2  }
0xbb: {  	s3 =	sand.u32 $0x4000, s31;
	s1 =	sadd.s32 s1, s30  }
0xbc: {  	s0 =	sor.u32 s3, s0;
	s1 =	sshll.u32 s1, $0x11  }
0xbd: {  	s0 =	sor.u32 s1, s0  }
0xbe: {  	s0 =	sadd.s32 $0x8F2B, s0  }
0xbf: {  	[sflag:s0] =	ssyncadd.remote.s32 $0x1  }
0xc0: {  	_ =	sfence.sel $0xFFFF  }
0xc1: {  	[dreg:$0x0] =	wrdreg $0xFFFFFFFF;
	(pc) =	sbr.abs _section_cstart, $3  }
0xc2: {  	[dreg:$0x1] =	wrdreg $0xFFFFFFFF  }
0xc3: {  	_ =	task.clear_ibuf [dreg:s8], $0x2FFFF;
	_ =	strace $0x9FFFFFFF  }
0xc4: {  	(tm) =	ssettm $0x7FFFFFFF  }
0xc5: {  	_ =	shalt  }
tec
execute0_lowered:
.L_overlay_start_1:
0x0: {  	(tag) =	ssettag $0x1  }
0x1: {  	s0 =	rddreg [dreg:$0x0]  }
0x2: {  	s1 =	srdreg.scid;
	s2 =	rddreg [dreg:$0x1]  }
0x3: {  	s8 =	stileid.u32;
	s9 =	rddreg [dreg:$0x2];
	s11 =	simm.s32 $0x6400  }
0x4: {  	s15 =	simm.s32 $0x180;
	s16 =	simm.s32 $0x12400;
	s17 =	simm.s32 $0x1  }
0x5: {  	s18 =	simm.s32 $0x200;
	s19 =	simm.s32 $0x16400;
	s20 =	simm.s32 $0x280  }
0x6: {  	s1 =	sand.u32 $0x1, s1;
	s3 =	sshll.u32 s8, $0x1;
	s8 =	smul.u32 $0x640000, s8  }
0x7: {  	s4 =	sor.u32 s1, s3;
	s7 =	ssub.s32 $0x2, s1;
	s1 =	smul.u32 $0x320000, s1  }
0x8: {  	s21 =	simm.s32 $0x1A400;
	s22 =	simm.s32 $0x2;
	s5 =	smul.u32 $0xC80, s4  }
0x9: {  	s23 =	simm.s32 $0x0;
	s3 =	simm.s32 $0x0;
	s6 =	smul.u32 $0x320000, s4  }
0xa: {  	[smem:$0x7FF] =	sst s3;
	s28 =	sshrl.u32 s7, $0x1;
	s29 =	smul.u32 $0x64000, s4  }
0xb: {  	_ =	strace $0x80000047;
	s10 =	ssub.s32 s7, s28;
	s1 =	sadd.s32 s1, s8  }
0xc: {  	s0 =	sadd.s32 s5, s0;
	s6 =	sshrl.u32 s6, $0x3;
	s5 =	sadd.s32 s9, s29  }
0xd: {  	s1 =	sor.u32 $0x8000, s1;
	s8 =	smax.u32 s10, $0x1;
	s10 =	simm.s32 $0x80  }
0xe: {  	s4 =	sadd.s32 $0x400, s0;
	s30 =	sadd.s32 s9, s6;
	s31 =	sshrl.u32 s1, $0x3  }
0xf: {  	s6 =	sadd.s32 $0x62000, s30;
	s7 =	sadd.s32 $0x63000, s30;
	s9 =	sadd.s32 s31, s9  }
.LBB2_1:
0x10: {  	[tilespmem:s3], [sflag:$0x3] =	stream.linear.gather [hbm4b:s4+s3], $0x6400, $0x38;
	[tilespmem:$0x1E400] =	vst v63  }
0x11: {  	s0 =	simm.s32 $0x3  }
0x12: {  	_ =	swait.ge [sflag:s0], $0x6400  }
0x13: {  	[sflag:s0] =	ssyncset.done $0x0  }
0x14: {  	[sflag:s0] =	ssyncadd.s32 $0xFFFF9C00  }
0x15: {  	[tilespmem:s11], [sflag:$0x1] =	stream.indirect.gather [hbm4b:s2+s10], $0x80, s3, s10, $0xb8;
	[tilespmem:$0x1E400] =	vst v63  }
0x16: {  	s1 =	simm.s32 $0xA400  }
0x17: {  	[tilespmem:s1], [sflag:$0x1] =	stream.indirect.gather [hbm4b:s2+s10], $0x80, s10, s10, $0xb8;
	[tilespmem:$0x1E400] =	vst v63  }
0x18: {  	s25 =	simm.s32 $0x100;
	s12 =	simm.s32 $0xE400  }
0x19: {  	[tilespmem:s12], [sflag:$0x1] =	stream.indirect.gather [hbm4b:s2+s10], $0x80, s25, s10, $0xb8;
	[tilespmem:$0x1E400] =	vst v63  }
0x1a: {  	_ = 	snop  }
0x1b: {  	[tilespmem:s16], [sflag:$0x1] =	stream.indirect.gather [hbm4b:s2+s10], $0x80, s15, s10, $0xb8;
	[tilespmem:$0x1E400] =	vst v63  }
0x1c: {  	_ =	swait.ge [sflag:s17], $0x4000  }
0x1d: {  	[sflag:s17] =	ssyncset.done $0x0  }
0x1e: {  	s0 =	smul.u32 $0xAB, s0;
	[sflag:s17] =	ssyncadd.s32 $0xFFFFC000  }
0x1f: {  	_ =	swait.ge [sflag:s17], $0x4000  }
0x20: {  	s26 =	sadd.s32 $0xFFFFFEAA, s0;
	[sflag:s17] =	ssyncset.done $0x0  }
0x21: {  	s24 =	simm.s32 $0x4;
	s1 =	sshrl.u32 s26, $0x9;
	[sflag:s17] =	ssyncadd.s32 $0xFFFFC000  }
0x22: {  	[hbm4b:s5+s3] =	stream.linear.scatter [tilespmem:s11], [sflag:$0x2], $0x8000, $0x38;
	[tilespmem:$0x1E400] =	vst v63  }
0x23: {  	s28 =	smul.u32 $0xAB, s24;
	s1 =	sand.u32 $0x7F, s1  }
0x24: {  	[tilespmem:s19], [sflag:$0x1] =	stream.indirect.gather [hbm4b:s2+s10], $0x80, s18, s10, $0xb8;
	[tilespmem:$0x1E400] =	vst v63  }
0x25: {  	s31 =	simm.s32 $0x300;
	s0 =	sshrl.u32 s0, $0x9;
	s1 =	smul.u32 $0x3, s1  }
0x26: {  	[tilespmem:s21], [sflag:$0x1] =	stream.indirect.gather [hbm4b:s2+s10], $0x80, s20, s10, $0xb8;
	[tilespmem:$0x1E400] =	vst v63  }
0x27: {  	s29 =	sshrl.u32 s28, $0x9;
	s0 =	sand.u32 $0x7F, s0;
	_ =	swait.ge [sflag:s17], $0x4000  }
0x28: {  	s0 =	smul.u32 $0x3, s0;
	s1 =	ssub.s32 $0x3, s1;
	[sflag:s17] =	ssyncset.done $0x0  }
0x29: {  	s26 =	simm.s32 $0x380;
	s1 =	sadd.s32 $0xFFFFFFFE, s1;
	[sflag:s17] =	ssyncadd.s32 $0xFFFFC000  }
0x2a: {  	s0 =	ssub.s32 $0x3, s0;
	s25 =	sand.u32 $0xFF, s1;
	_ =	swait.ge [sflag:s17], $0x4000  }
0x2b: {  	s0 =	sand.u32 $0xFF, s0;
	s25 =	sshll.u32 s25, $0xF;
	[sflag:s17] =	ssyncset.done $0x0  }
0x2c: {  	s30 =	sshll.u32 s0, $0xF;
	s25 =	sor.u32 $0x6400, s25;
	[sflag:s17] =	ssyncadd.s32 $0xFFFFC000  }
0x2d: {  	[hbm4b:s9+s3] =	stream.linear.scatter [tilespmem:s25], [sflag:$0x2], $0x8000, $0x38;
	[tilespmem:$0x1E400] =	vst v63  }
0x2e: {  	s0 =	sadd.s32 $0xFFFFFEAA, s28;
	s28 =	smov.u32 s9;
	_ =	swait.ge [sflag:s22], $0x8000  }
0x2f: {  	s1 =	simm.s32 $0x5;
	s25 =	simm.s32 $0x480;
	[sflag:s22] =	ssyncset.done $0x0  }
.LBB2_2:
0x30: {  	s0 =	sshrl.u32 s0, $0x9;
	s28 =	sadd.s32 $0x1000, s28  }
0x31: {  	s12 =	smov.u32 s24;
	s24 =	smov.u32 s1;
	s13 =	sadd.s32 $0x1, s1  }
0x32: {  	s14 =	sor.u32 $0x6400, s30;
	s0 =	sand.u32 $0x7F, s0;
	[sflag:s22] =	ssyncadd.s32 $0xFFFF8000  }
0x33: {  	[tilespmem:s14], [sflag:$0x1] =	stream.indirect.gather [hbm4b:s2+s10], $0x80, s31, s10, $0xb8;
	[tilespmem:$0x1E400] =	vst v63  }
0x34: {  	p0 =	sne.s32 s1, $0x63;
	s1 =	sadd.s32 $0xA400, s30;
	s0 =	smul.u32 $0x3, s0  }
0x35: {  	[tilespmem:s1], [sflag:$0x1] =	stream.indirect.gather [hbm4b:s2+s10], $0x80, s26, s10, $0xb8;
	[tilespmem:$0x1E400] =	vst v63  }
0x36: {  	s0 =	ssub.s32 s12, s0  }
0x37: {  	s26 =	smov.u32 s25;
	s1 =	sand.u32 $0x7F, s29;
	_ =	swait.ge [sflag:s17], $0x4000  }
0x38: {  	s0 =	sadd.s32 $0xFFFFFFFE, s0;
	s1 =	smul.u32 $0x3, s1;
	[sflag:s17] =	ssyncset.done $0x0  }
0x39: {  	s0 =	sand.u32 $0xFF, s0;
	[sflag:s17] =	ssyncadd.s32 $0xFFFFC000  }
0x3a: {  	s0 =	sshll.u32 s0, $0xF;
	s1 =	ssub.s32 s12, s1;
	_ =	swait.ge [sflag:s17], $0x4000  }
0x3b: {  	s12 =	smul.u32 $0xAB, s24;
	s0 =	sor.u32 $0x6400, s0;
	[sflag:s17] =	ssyncset.done $0x0  }
.Ltmp0:
0x3c: {  	[sflag:s17] =	ssyncadd.s32 $0xFFFFC000;
	(pc) =	sbr.rel @p0 .LBB2_2-.Ltmp0, $4  }
0x3d: {  	[hbm4b:s28+s3] =	stream.linear.scatter [tilespmem:s0], [sflag:$0x2], $0x8000, $0x38;
	[tilespmem:$0x1E400] =	vst v63  }
0x3e: {  	s31 =	sadd.s32 $0xFFFFFF80, s25;
	s25 =	sadd.s32 $0x100, s25;
	s0 =	sand.u32 $0xFF, s1  }
0x3f: {  	s29 =	sshrl.u32 s12, $0x9;
	s30 =	sshll.u32 s0, $0xF;
	_ =	swait.ge [sflag:s22], $0x8000  }
0x40: {  	s1 =	smov.u32 s13;
	s0 =	sadd.s32 $0xFFFFFEAA, s12;
	[sflag:s22] =	ssyncset.done $0x0  }
0x41: {  	s0 =	sshrl.u32 s0, $0x9  }
0x42: {  	[sflag:s22] =	ssyncadd.s32 $0xFFFF8000;
	s1 =	sor.u32 $0x6400, s30;
	s0 =	sand.u32 $0x7F, s0  }
0x43: {  	[tilespmem:s1], [sflag:$0x1] =	stream.indirect.gather [hbm4b:s2+s10], $0x80, s31, s10, $0xb8;
	[tilespmem:$0x1E400] =	vst v63  }
0x44: {  	s14 =	sadd.s32 $0xA400, s30;
	s0 =	smul.u32 $0x3, s0  }
0x45: {  	[tilespmem:s14], [sflag:$0x1] =	stream.indirect.gather [hbm4b:s2+s10], $0x80, s26, s10, $0xb8;
	[tilespmem:$0x1E400] =	vst v63  }
0x46: {  	_ =	swait.ge [sflag:s17], $0x4000  }
0x47: {  	s0 =	ssub.s32 s24, s0;
	[sflag:s17] =	ssyncset.done $0x0  }
0x48: {  	s26 =	sand.u32 $0x7F, s29;
	s0 =	sadd.s32 $0xFFFFFFFE, s0;
	[sflag:s17] =	ssyncadd.s32 $0xFFFFC000  }
0x49: {  	s1 =	smul.u32 $0x3, s26;
	s0 =	sand.u32 $0xFF, s0;
	_ =	swait.ge [sflag:s17], $0x4000  }
0x4a: {  	s12 =	sadd.s32 $0x1000, s28;
	s0 =	sshll.u32 s0, $0xF;
	[sflag:s17] =	ssyncset.done $0x0  }
0x4b: {  	s1 =	ssub.s32 s24, s1;
	s0 =	sor.u32 $0x6400, s0;
	[sflag:s17] =	ssyncadd.s32 $0xFFFFC000  }
0x4c: {  	[hbm4b:s12+s3] =	stream.linear.scatter [tilespmem:s0], [sflag:$0x2], $0x8000, $0x38;
	[tilespmem:$0x1E400] =	vst v63  }
0x4d: {  	s29 =	sand.u32 $0xFF, s1;
	_ =	swait.ge [sflag:s22], $0x8000  }
0x4e: {  	s0 =	sshll.u32 s29, $0xF;
	[sflag:s22] =	ssyncset.done $0x0  }
0x4f: {  	s30 =	sadd.s32 $0xFFFFFF80, s25;
	s31 =	sor.u32 $0x6400, s0;
	[sflag:s22] =	ssyncadd.s32 $0xFFFF8000  }
0x50: {  	[tilespmem:s31], [sflag:$0x1] =	stream.indirect.gather [hbm4b:s2+s10], $0x80, s30, s10, $0xb8;
	[tilespmem:$0x1E400] =	vst v63  }
0x51: {  	s0 =	sadd.s32 $0xA400, s0  }
0x52: {  	[tilespmem:s0], [sflag:$0x1] =	stream.indirect.gather [hbm4b:s2+s10], $0x80, s25, s10, $0xb8;
	[tilespmem:$0x1E400] =	vst v63  }
0x53: {  	_ =	swait.ge [sflag:s17], $0x4000  }
0x54: {  	[sflag:s17] =	ssyncset.done $0x0  }
0x55: {  	[sflag:s17] =	ssyncadd.s32 $0xFFFFC000  }
0x56: {  	_ =	swait.ge [sflag:s17], $0x4000  }
0x57: {  	[sflag:s17] =	ssyncset.done $0x0  }
0x58: {  	[sflag:s17] =	ssyncadd.s32 $0xFFFFC000  }
0x59: {  	[hbm4b:s6+s3] =	stream.linear.scatter [tilespmem:s19], [sflag:$0x2], $0x8000, $0x38;
	[tilespmem:$0x1E400] =	vst v63  }
0x5a: {  	_ =	swait.ge [sflag:s22], $0x8000  }
0x5b: {  	[sflag:s22] =	ssyncset.done $0x0  }
0x5c: {  	[sflag:s22] =	ssyncadd.s32 $0xFFFF8000  }
0x5d: {  	_ =	swait.ge [sflag:s17], $0x4000  }
0x5e: {  	[sflag:s17] =	ssyncset.done $0x0  }
0x5f: {  	[sflag:s17] =	ssyncadd.s32 $0xFFFFC000  }
0x60: {  	_ =	swait.ge [sflag:s17], $0x4000  }
0x61: {  	[sflag:s17] =	ssyncset.done $0x0  }
0x62: {  	s23 =	sadd.s32 $0x1, s23;
	[sflag:s17] =	ssyncadd.s32 $0xFFFFC000  }
0x63: {  	[hbm4b:s7+s3] =	stream.linear.scatter [tilespmem:s11], [sflag:$0x2], $0x8000, $0x38;
	[tilespmem:$0x1E400] =	vst v63  }
0x64: {  	p0 =	sne.s32 s23, s8;
	_ =	swait.ge [sflag:s22], $0x8000  }
.Ltmp1:
0x65: {  	[sflag:s22] =	ssyncset.done $0x0;
	(pc) =	sbr.rel @p0 .LBB2_1-.Ltmp1, $4  }
0x66: {  	[sflag:s22] =	ssyncadd.s32 $0xFFFF8000  }
0x67: {  	_ =	swait.ge [sflag:s22], $0x8000  }
0x68: {  	[sflag:s22] =	ssyncset.done $0x0  }
0x69: {  	[sflag:s22] =	ssyncadd.s32 $0xFFFF8000  }
0x6a: {  	_ =	sfence.sel $0x180000  }
0x6b: {  	[bflag:$0x0] =	sbarrier.arrive $0xFFFF  }
0x6c: {  	_ =	strace $0x90000047  }
0x6d: {  	s0 =	stileid.u32;
	[bflag:$0x2] =	sbarrier.arrive $0xFFFF  }
0x6e: {  	p0 =	sne.s32 s0, $0x0;
	s0 =	rddreg [dreg:$0x3]  }
0x6f: {  	s0 =	sadd.s32 @!p0 $0x100000, s0  }
0x70: {  	[sflag:s0] =	ssyncadd.tile.s32 @!p0 $0x1;
	_ =	shalt  }
.Lfunc_end2:
_tile_overlayer_lowered:
.L_overlay_start_2:
0x71: {  	(tag) =	ssettag $0x2  }
0x72: {  	s0 =	rddreg [dreg:$0x0];
	s2 =	stileid.u32  }
0x73: {  	s1 =	rddreg [dreg:$0x1];
	p0 =	sne.s32 s2, $0x0  }
0x74: {  	s3 =	rddreg [dreg:$0x2];
	[bflag:$0x3] =	sbarrier.arrive $0xFFFF;
	s2 =	simm.s32 @!p0 $0x1C03  }
0x75: {  	[timem:s3], [sflag:s2] =	dma.local @!p0 [hbm:s0], s1  }
0x76: {  	s0 =	simm.s32 @!p0 $0x3  }
0x77: {  	_ =	swait.ge @!p0 [sflag:s0], s1  }
0x78: {  	s1 =	ssub.s32 @!p0 $0x0, s1;
	[sflag:s0] =	ssyncset.done @!p0 $0x0  }
0x79: {  	[sflag:s0] =	ssyncadd.s32 @!p0 s1  }
0x7a: {  	[bflag:$0x3] =	sbarrier.arrive $0xFFFF  }
0x7b: {  	_ =	shalt  }

</sc_bundles>
